<compile_context>
chip_gen: v7x
topology: tpu7x:2x2x1
jax: 0.10.2.dev20260603
libtpu: 0.0.44.dev20260713+nightly
codegen_flags: <defaults>
</compile_context>

<pallas_src>
import functools

import jax
import jax.numpy as jnp
from jax import lax
from jax.experimental import pallas as pl
from jax.experimental.pallas import tpu as pltpu
from jax.experimental.pallas import tpu_sc as plsc

SEQ_LEN = 200
EMBED = 64
VOCAB = 100000
CHUNK = 64
NUM_CORES = 2
NUM_SUBCORES = 16
NUM_WORKERS = NUM_CORES * NUM_SUBCORES
NBUF = 2
BLK = 8


def _sc_body(
    idx_hbm, tok_hbm, pos_hbm, out_hbm, posp_v, idx_v, gbuf, rows, gsems, ssems, isem
):
    wid = lax.axis_index("s") * NUM_CORES + lax.axis_index("c")
    n_idx_rows = idx_hbm.shape[0] // NUM_WORKERS
    n_chunks = 2 * n_idx_rows
    irow0 = wid * n_idx_rows
    chunk0 = wid * n_chunks

    pltpu.sync_copy(pos_hbm, posp_v.at[pl.ds(0, SEQ_LEN // 2)])
    pltpu.sync_copy(pos_hbm, posp_v.at[pl.ds(SEQ_LEN // 2, SEQ_LEN // 2)])
    pltpu.sync_copy(idx_hbm.at[pl.ds(irow0, BLK)], idx_v.at[0])

    def fire_gather(c, b):
        irow = c // 2
        slot = (irow // BLK) % 2
        row = irow % BLK
        half = (c % 2) * CHUNK
        for k in range(2):
            pltpu.async_copy(
                tok_hbm.at[idx_v.at[slot, row, pl.ds(half + k * 32, 32)]],
                gbuf.at[b, pl.ds(k * 32, 32)],
                gsems.at[b],
            )

    def drain_gather(b):
        pltpu.make_async_copy(
            tok_hbm.at[pl.ds(0, CHUNK)], gbuf.at[b], gsems.at[b]
        ).wait()

    def fire_scatter(c, b):
        pltpu.async_copy(
            rows.at[b], out_hbm.at[pl.ds((chunk0 + c) * CHUNK, CHUNK)], ssems.at[b]
        )

    def drain_scatter(b):
        pltpu.make_async_copy(
            rows.at[b], out_hbm.at[pl.ds(0, CHUNK)], ssems.at[b]
        ).wait()

    def add_pos(c, b):
        p0 = lax.rem(c * (CHUNK // 2), SEQ_LEN // 2)

        def grp_body(g, carry):
            p = 2 * g
            tok_vals = []
            pos_vals = []
            for u in range(2):
                for h in range(2):
                    for e in range(EMBED // 16):
                        tok_vals.append(gbuf[b, 2 * (p + u) + h, pl.ds(e * 16, 16)])
            for u in range(2):
                for h in range(2):
                    for e in range(EMBED // 16):
                        pos_vals.append(
                            posp_v[p0 + p + u, pl.ds(h * EMBED + e * 16, 16)]
                        )
            k = 0
            for u in range(2):
                for h in range(2):
                    for e in range(EMBED // 16):
                        rows[b, 2 * (p + u) + h, pl.ds(e * 16, 16)] = (
                            tok_vals[k] + pos_vals[k]
                        )
                        k += 1
            return carry

        lax.fori_loop(0, CHUNK // 4, grp_body, 0)

    for b in range(NBUF):
        fire_gather(b, b)

    n_iters = n_chunks // NBUF

    def body(i, carry):
        for j in range(NBUF):
            c = i * NBUF + j
            drain_gather(j)

            @pl.when(i > 0)
            def _():
                drain_scatter(j)

            add_pos(c, j)
            fire_scatter(c, j)

            if j == 0:
                @pl.when(lax.rem(c, 2 * BLK) == 0)
                def _():
                    @pl.when(c + 2 * BLK < n_chunks)
                    def _():
                        blk = c // (2 * BLK) + 1
                        pltpu.async_copy(
                            idx_hbm.at[pl.ds(irow0 + blk * BLK, BLK)],
                            idx_v.at[blk % 2],
                            isem,
                        )

                @pl.when(lax.rem(c + 2, 2 * BLK) == 0)
                def _():
                    @pl.when(c + 2 < n_chunks)
                    def _():
                        pltpu.make_async_copy(
                            idx_hbm.at[pl.ds(0, BLK)], idx_v.at[0], isem
                        ).wait()

            @pl.when(i < n_iters - 1)
            def _():
                fire_gather(c + NBUF, j)

        return carry

    lax.fori_loop(0, n_iters, body, 0)

    for b in range(NBUF):
        drain_scatter(b)


def kernel(inputs, token_table, position_table):
    batch = inputs.shape[0]
    idx = inputs.astype(jnp.int32).reshape(batch * SEQ_LEN // 128, 128)
    tok = jnp.pad(token_table, ((0, 0), (0, EMBED)))
    posp = position_table.reshape(SEQ_LEN // 2, 2 * EMBED)

    mesh = plsc.VectorSubcoreMesh(core_axis_name="c", subcore_axis_name="s")
    k = functools.partial(
        pl.kernel,
        out_type=jax.ShapeDtypeStruct((batch * SEQ_LEN, EMBED), jnp.float32),
        mesh=mesh,
        scratch_types=[
            pltpu.VMEM((SEQ_LEN, 2 * EMBED), jnp.float32),
            pltpu.VMEM((2, BLK, 128), jnp.int32),
            pltpu.VMEM((NBUF, CHUNK, 2 * EMBED), jnp.float32),
            pltpu.VMEM((NBUF, CHUNK, EMBED), jnp.float32),
            pltpu.SemaphoreType.DMA((NBUF,)),
            pltpu.SemaphoreType.DMA((NBUF,)),
            pltpu.SemaphoreType.DMA,
        ],
    )(_sc_body)
    out = k(idx, tok, posp)
    return out.reshape(batch, SEQ_LEN, EMBED)

# --- scband reference (transcript-rebuilt; emitter-appended) ---
"""Pipeline reference for scband-positional-embedding-25769803961 (READ-ONLY COPY).

The authoritative reference and input builder live on the scoring server;
editing this copy changes nothing except your own understanding.
"""

import jax, jax.numpy as jnp
import numpy as np

SEQ_LEN = 200
VOCAB = 100000
EMBED = 64
BATCH = 4096

def setup_inputs(seed: int = 0) -> dict:
    key = jax.random.key(seed)
    k1, k2, k3 = jax.random.split(key, 3)
    inputs = jax.random.randint(k1, (BATCH, SEQ_LEN), 0, VOCAB, dtype=jnp.int64 if jax.config.read('jax_enable_x64') else jnp.int32)
    token_table = jax.random.normal(k2, (VOCAB, EMBED), dtype=jnp.float32) * 0.02
    position_table = jax.random.normal(k3, (SEQ_LEN, EMBED), dtype=jnp.float32) * 0.02
    return {"inputs": inputs, "token_table": token_table, "position_table": position_table}

def reference(inputs, token_table, position_table):
    # token embedding lookup: gather rows of token_table
    embedded_tokens = jnp.take(token_table, inputs, axis=0)  # [B, S, E]
    # position embedding lookup over arange(sequence_length)
    positions = jnp.arange(SEQ_LEN)
    embedded_positions = jnp.take(position_table, positions, axis=0)  # [S, E]
    return embedded_tokens + embedded_positions[None, :, :]

if __name__ == "__main__":
    import jax
    _d = setup_inputs()
    print(jax.jit(kernel)(*tuple(_d.values())))

</pallas_src>

<mosaic_0001>
#map = affine_map<(d0, d1) -> (0, 0)>
module attributes {stable_mosaic.version = 14 : i64} {
  func.func @_sc_body(%arg0: i32, %arg1: i32, %arg2: memref<6400x128xi32, #tpu.memory_space<hbm>>, %arg3: memref<100000x128xf32, #tpu.memory_space<hbm>>, %arg4: memref<100x128xf32, #tpu.memory_space<hbm>>, %arg5: memref<819200x64xf32, #tpu.memory_space<hbm>>, %arg6: memref<200x128xf32, #tpu.memory_space<vmem>>, %arg7: memref<2x8x128xi32, #tpu.memory_space<vmem>>, %arg8: memref<2x64x128xf32, #tpu.memory_space<vmem>>, %arg9: memref<2x64x64xf32, #tpu.memory_space<vmem>>, %arg10: memref<2x!tpu.dma_semaphore, #tpu.memory_space<semaphore_mem>>, %arg11: memref<2x!tpu.dma_semaphore, #tpu.memory_space<semaphore_mem>>, %arg12: memref<!tpu.dma_semaphore, #tpu.memory_space<semaphore_mem>>) attributes {dimension_semantics = [#tpu.dimension_semantics<core_parallel>, #tpu.dimension_semantics<subcore_parallel>], iteration_bounds = array<i64: 2, 16>, scalar_prefetch = 0 : i64, scratch_operands = 7 : i64, tpu.core_type = #tpu.core_type<sc_vector_subcore>, window_params = [{transform_indices = #map}, {transform_indices = #map}, {transform_indices = #map}, {transform_indices = #map}]} {
    %mul3A = arith.constant 2 : i32
    %mul3A_0 = arith.muli %arg1, %mul3A : i32
    %add3A = arith.addi %mul3A_0, %arg0 : i32
    %mul3A_1 = arith.constant 200 : i32
    %mul3A_2 = arith.muli %add3A, %mul3A_1 : i32
    %mul3A_3 = arith.constant 400 : i32
    %mul3A_4 = arith.muli %add3A, %mul3A_3 : i32
    "tpu.region"() ({
      %run_scoped3A_108 = tpu.sem_alloc : memref<!tpu.dma_semaphore, #tpu.memory_space<semaphore_mem>>
      %dma_start3A_109 = arith.constant 0 : i32
      %dma_start3A_110 = arith.constant 0 : i32
      %dma_start3A_111 = tpu.memref_slice %arg6[%dma_start3A_109, %dma_start3A_110] : memref<200x128xf32, #tpu.memory_space<vmem>> -> memref<100x128xf32, #tpu.memory_space<vmem>>
      %dma_start3A_112 = arith.constant 0 : i32
      %dma_start3A_113 = arith.constant 0 : i32
      %dma_start3A_114 = tpu.memref_slice %arg6[%dma_start3A_112, %dma_start3A_113] : memref<200x128xf32, #tpu.memory_space<vmem>> -> memref<100x128xf32, #tpu.memory_space<vmem>>
      tpu.enqueue_dma source(%arg4 : memref<100x128xf32, #tpu.memory_space<hbm>>) target(%dma_start3A_114 : memref<100x128xf32, #tpu.memory_space<vmem>>) target_semaphore(%run_scoped3A_108 : memref<!tpu.dma_semaphore, #tpu.memory_space<semaphore_mem>>)
      %dma_wait3A_115 = arith.constant 0 : i32
      %dma_wait3A_116 = arith.constant 0 : i32
      %dma_wait3A_117 = tpu.memref_slice %arg6[%dma_wait3A_115, %dma_wait3A_116] : memref<200x128xf32, #tpu.memory_space<vmem>> -> memref<100x128xf32, #tpu.memory_space<vmem>>
      %dma_wait3A_118 = arith.constant 0 : i32
      %dma_wait3A_119 = arith.constant 0 : i32
      %dma_wait3A_120 = tpu.memref_slice %arg6[%dma_wait3A_118, %dma_wait3A_119] : memref<200x128xf32, #tpu.memory_space<vmem>> -> memref<100x128xf32, #tpu.memory_space<vmem>>
      tpu.wait_dma2 semaphore(%run_scoped3A_108 : memref<!tpu.dma_semaphore, #tpu.memory_space<semaphore_mem>>) src(%arg4 : memref<100x128xf32, #tpu.memory_space<hbm>>) dst(%dma_wait3A_120 : memref<100x128xf32, #tpu.memory_space<vmem>>)
      tpu.yield
    }) : () -> ()
    "tpu.region"() ({
      %run_scoped3A_108 = tpu.sem_alloc : memref<!tpu.dma_semaphore, #tpu.memory_space<semaphore_mem>>
      %dma_start3A_109 = arith.constant 100 : i32
      %dma_start3A_110 = arith.constant 0 : i32
      %dma_start3A_111 = tpu.memref_slice %arg6[%dma_start3A_109, %dma_start3A_110] : memref<200x128xf32, #tpu.memory_space<vmem>> -> memref<100x128xf32, #tpu.memory_space<vmem>>
      %dma_start3A_112 = arith.constant 100 : i32
      %dma_start3A_113 = arith.constant 0 : i32
      %dma_start3A_114 = tpu.memref_slice %arg6[%dma_start3A_112, %dma_start3A_113] : memref<200x128xf32, #tpu.memory_space<vmem>> -> memref<100x128xf32, #tpu.memory_space<vmem>>
      tpu.enqueue_dma source(%arg4 : memref<100x128xf32, #tpu.memory_space<hbm>>) target(%dma_start3A_114 : memref<100x128xf32, #tpu.memory_space<vmem>>) target_semaphore(%run_scoped3A_108 : memref<!tpu.dma_semaphore, #tpu.memory_space<semaphore_mem>>)
      %dma_wait3A_115 = arith.constant 100 : i32
      %dma_wait3A_116 = arith.constant 0 : i32
      %dma_wait3A_117 = tpu.memref_slice %arg6[%dma_wait3A_115, %dma_wait3A_116] : memref<200x128xf32, #tpu.memory_space<vmem>> -> memref<100x128xf32, #tpu.memory_space<vmem>>
      %dma_wait3A_118 = arith.constant 100 : i32
      %dma_wait3A_119 = arith.constant 0 : i32
      %dma_wait3A_120 = tpu.memref_slice %arg6[%dma_wait3A_118, %dma_wait3A_119] : memref<200x128xf32, #tpu.memory_space<vmem>> -> memref<100x128xf32, #tpu.memory_space<vmem>>
      tpu.wait_dma2 semaphore(%run_scoped3A_108 : memref<!tpu.dma_semaphore, #tpu.memory_space<semaphore_mem>>) src(%arg4 : memref<100x128xf32, #tpu.memory_space<hbm>>) dst(%dma_wait3A_120 : memref<100x128xf32, #tpu.memory_space<vmem>>)
      tpu.yield
    }) : () -> ()
    %run_scoped3A = arith.constant 0 : i32
    "tpu.region"() ({
      %run_scoped3A_108 = tpu.sem_alloc : memref<!tpu.dma_semaphore, #tpu.memory_space<semaphore_mem>>
      %dma_start3A_109 = arith.constant 0 : i32
      %dma_start3A_110 = arith.constant 0 : i32
      %dma_start3A_111 = tpu.memref_slice %arg7[%run_scoped3A, %dma_start3A_109, %dma_start3A_110] : memref<2x8x128xi32, #tpu.memory_space<vmem>> -> memref<1x8x128xi32, #tpu.memory_space<vmem>>
      %dma_start3A_112 = tpu.memref_squeeze %dma_start3A_111 : memref<1x8x128xi32, #tpu.memory_space<vmem>> -> memref<8x128xi32, #tpu.memory_space<vmem>>
      %dma_start3A_113 = arith.constant 0 : i32
      %dma_start3A_114 = tpu.memref_slice %arg2[%mul3A_2, %dma_start3A_113] : memref<6400x128xi32, #tpu.memory_space<hbm>> -> memref<8x128xi32, #tpu.memory_space<hbm>>
      %dma_start3A_115 = arith.constant 0 : i32
      %dma_start3A_116 = arith.constant 0 : i32
      %dma_start3A_117 = tpu.memref_slice %arg7[%run_scoped3A, %dma_start3A_115, %dma_start3A_116] : memref<2x8x128xi32, #tpu.memory_space<vmem>> -> memref<1x8x128xi32, #tpu.memory_space<vmem>>
      %dma_start3A_118 = tpu.memref_squeeze %dma_start3A_117 : memref<1x8x128xi32, #tpu.memory_space<vmem>> -> memref<8x128xi32, #tpu.memory_space<vmem>>
      %dma_start3A_119 = arith.constant 0 : i32
      %dma_start3A_120 = tpu.memref_slice %arg2[%mul3A_2, %dma_start3A_119] : memref<6400x128xi32, #tpu.memory_space<hbm>> -> memref<8x128xi32, #tpu.memory_space<hbm>>
      tpu.enqueue_dma source(%dma_start3A_120 : memref<8x128xi32, #tpu.memory_space<hbm>>) target(%dma_start3A_118 : memref<8x128xi32, #tpu.memory_space<vmem>>) target_semaphore(%run_scoped3A_108 : memref<!tpu.dma_semaphore, #tpu.memory_space<semaphore_mem>>)
      %dma_wait3A_121 = arith.constant 0 : i32
      %dma_wait3A_122 = arith.constant 0 : i32
      %dma_wait3A_123 = tpu.memref_slice %arg7[%run_scoped3A, %dma_wait3A_121, %dma_wait3A_122] : memref<2x8x128xi32, #tpu.memory_space<vmem>> -> memref<1x8x128xi32, #tpu.memory_space<vmem>>
      %dma_wait3A_124 = tpu.memref_squeeze %dma_wait3A_123 : memref<1x8x128xi32, #tpu.memory_space<vmem>> -> memref<8x128xi32, #tpu.memory_space<vmem>>
      %dma_wait3A_125 = arith.constant 0 : i32
      %dma_wait3A_126 = tpu.memref_slice %arg2[%mul3A_2, %dma_wait3A_125] : memref<6400x128xi32, #tpu.memory_space<hbm>> -> memref<8x128xi32, #tpu.memory_space<hbm>>
      %dma_wait3A_127 = arith.constant 0 : i32
      %dma_wait3A_128 = arith.constant 0 : i32
      %dma_wait3A_129 = tpu.memref_slice %arg7[%run_scoped3A, %dma_wait3A_127, %dma_wait3A_128] : memref<2x8x128xi32, #tpu.memory_space<vmem>> -> memref<1x8x128xi32, #tpu.memory_space<vmem>>
      %dma_wait3A_130 = tpu.memref_squeeze %dma_wait3A_129 : memref<1x8x128xi32, #tpu.memory_space<vmem>> -> memref<8x128xi32, #tpu.memory_space<vmem>>
      %dma_wait3A_131 = arith.constant 0 : i32
      %dma_wait3A_132 = tpu.memref_slice %arg2[%mul3A_2, %dma_wait3A_131] : memref<6400x128xi32, #tpu.memory_space<hbm>> -> memref<8x128xi32, #tpu.memory_space<hbm>>
      tpu.wait_dma2 semaphore(%run_scoped3A_108 : memref<!tpu.dma_semaphore, #tpu.memory_space<semaphore_mem>>) src(%dma_wait3A_132 : memref<8x128xi32, #tpu.memory_space<hbm>>) dst(%dma_wait3A_130 : memref<8x128xi32, #tpu.memory_space<vmem>>)
      tpu.yield
    }) : () -> ()
    %dma_start3A = arith.constant 0 : i32
    %dma_start3A_5 = arith.constant 0 : i32
    %dma_start3A_6 = arith.constant 0 : i32
    %dma_start3A_7 = arith.constant 0 : i32
    %dma_start3A_8 = arith.constant 0 : i32
    %dma_start3A_9 = arith.constant 0 : i32
    %dma_start3A_10 = tpu.memref_slice %arg8[%dma_start3A_6, %dma_start3A_8, %dma_start3A_9] : memref<2x64x128xf32, #tpu.memory_space<vmem>> -> memref<1x32x128xf32, #tpu.memory_space<vmem>>
    %dma_start3A_11 = tpu.memref_squeeze %dma_start3A_10 : memref<1x32x128xf32, #tpu.memory_space<vmem>> -> memref<32x128xf32, #tpu.memory_space<vmem>>
    %dma_start3A_12 = arith.constant 0 : i32
    %dma_start3A_13 = tpu.memref_slice %arg7[%dma_start3A, %dma_start3A_5, %dma_start3A_12] : memref<2x8x128xi32, #tpu.memory_space<vmem>> -> memref<1x1x32xi32, #tpu.memory_space<vmem>>
    %dma_start3A_14 = tpu.memref_squeeze %dma_start3A_13 : memref<1x1x32xi32, #tpu.memory_space<vmem>> -> memref<32xi32, #tpu.memory_space<vmem>>
    %dma_start3A_15 = arith.constant 0 : i32
    %dma_start3A_16 = arith.constant 0 : i32
    %dma_start3A_17 = tpu.memref_slice %arg3[%dma_start3A_15, %dma_start3A_16] : memref<100000x128xf32, #tpu.memory_space<hbm>> -> memref<100000x128xf32, #tpu.memory_space<hbm>>
    %dma_start3A_18 = tpu.memref_slice %arg10[%dma_start3A_7] : memref<2x!tpu.dma_semaphore, #tpu.memory_space<semaphore_mem>> -> memref<1x!tpu.dma_semaphore, #tpu.memory_space<semaphore_mem>>
    %dma_start3A_19 = tpu.memref_squeeze %dma_start3A_18 : memref<1x!tpu.dma_semaphore, #tpu.memory_space<semaphore_mem>> -> memref<!tpu.dma_semaphore, #tpu.memory_space<semaphore_mem>>
    tpu.enqueue_indirect_dma source(%dma_start3A_17 : memref<100000x128xf32, #tpu.memory_space<hbm>>) target(%dma_start3A_11 : memref<32x128xf32, #tpu.memory_space<vmem>>) offsets(%dma_start3A_14 : memref<32xi32, #tpu.memory_space<vmem>>) semaphore(%dma_start3A_19 : memref<!tpu.dma_semaphore, #tpu.memory_space<semaphore_mem>>)
    %dma_start3A_20 = arith.constant 0 : i32
    %dma_start3A_21 = arith.constant 0 : i32
    %dma_start3A_22 = arith.constant 0 : i32
    %dma_start3A_23 = arith.constant 0 : i32
    %dma_start3A_24 = arith.constant 32 : i32
    %dma_start3A_25 = arith.constant 0 : i32
    %dma_start3A_26 = tpu.memref_slice %arg8[%dma_start3A_22, %dma_start3A_24, %dma_start3A_25] : memref<2x64x128xf32, #tpu.memory_space<vmem>> -> memref<1x32x128xf32, #tpu.memory_space<vmem>>
    %dma_start3A_27 = tpu.memref_squeeze %dma_start3A_26 : memref<1x32x128xf32, #tpu.memory_space<vmem>> -> memref<32x128xf32, #tpu.memory_space<vmem>>
    %dma_start3A_28 = arith.constant 32 : i32
    %dma_start3A_29 = tpu.memref_slice %arg7[%dma_start3A_20, %dma_start3A_21, %dma_start3A_28] : memref<2x8x128xi32, #tpu.memory_space<vmem>> -> memref<1x1x32xi32, #tpu.memory_space<vmem>>
    %dma_start3A_30 = tpu.memref_squeeze %dma_start3A_29 : memref<1x1x32xi32, #tpu.memory_space<vmem>> -> memref<32xi32, #tpu.memory_space<vmem>>
    %dma_start3A_31 = arith.constant 0 : i32
    %dma_start3A_32 = arith.constant 0 : i32
    %dma_start3A_33 = tpu.memref_slice %arg3[%dma_start3A_31, %dma_start3A_32] : memref<100000x128xf32, #tpu.memory_space<hbm>> -> memref<100000x128xf32, #tpu.memory_space<hbm>>
    %dma_start3A_34 = tpu.memref_slice %arg10[%dma_start3A_23] : memref<2x!tpu.dma_semaphore, #tpu.memory_space<semaphore_mem>> -> memref<1x!tpu.dma_semaphore, #tpu.memory_space<semaphore_mem>>
    %dma_start3A_35 = tpu.memref_squeeze %dma_start3A_34 : memref<1x!tpu.dma_semaphore, #tpu.memory_space<semaphore_mem>> -> memref<!tpu.dma_semaphore, #tpu.memory_space<semaphore_mem>>
    tpu.enqueue_indirect_dma source(%dma_start3A_33 : memref<100000x128xf32, #tpu.memory_space<hbm>>) target(%dma_start3A_27 : memref<32x128xf32, #tpu.memory_space<vmem>>) offsets(%dma_start3A_30 : memref<32xi32, #tpu.memory_space<vmem>>) semaphore(%dma_start3A_35 : memref<!tpu.dma_semaphore, #tpu.memory_space<semaphore_mem>>)
    %dma_start3A_36 = arith.constant 0 : i32
    %dma_start3A_37 = arith.constant 0 : i32
    %dma_start3A_38 = arith.constant 1 : i32
    %dma_start3A_39 = arith.constant 1 : i32
    %dma_start3A_40 = arith.constant 0 : i32
    %dma_start3A_41 = arith.constant 0 : i32
    %dma_start3A_42 = tpu.memref_slice %arg8[%dma_start3A_38, %dma_start3A_40, %dma_start3A_41] : memref<2x64x128xf32, #tpu.memory_space<vmem>> -> memref<1x32x128xf32, #tpu.memory_space<vmem>>
    %dma_start3A_43 = tpu.memref_squeeze %dma_start3A_42 : memref<1x32x128xf32, #tpu.memory_space<vmem>> -> memref<32x128xf32, #tpu.memory_space<vmem>>
    %dma_start3A_44 = arith.constant 64 : i32
    %dma_start3A_45 = tpu.memref_slice %arg7[%dma_start3A_36, %dma_start3A_37, %dma_start3A_44] : memref<2x8x128xi32, #tpu.memory_space<vmem>> -> memref<1x1x32xi32, #tpu.memory_space<vmem>>
    %dma_start3A_46 = tpu.memref_squeeze %dma_start3A_45 : memref<1x1x32xi32, #tpu.memory_space<vmem>> -> memref<32xi32, #tpu.memory_space<vmem>>
    %dma_start3A_47 = arith.constant 0 : i32
    %dma_start3A_48 = arith.constant 0 : i32
    %dma_start3A_49 = tpu.memref_slice %arg3[%dma_start3A_47, %dma_start3A_48] : memref<100000x128xf32, #tpu.memory_space<hbm>> -> memref<100000x128xf32, #tpu.memory_space<hbm>>
    %dma_start3A_50 = tpu.memref_slice %arg10[%dma_start3A_39] : memref<2x!tpu.dma_semaphore, #tpu.memory_space<semaphore_mem>> -> memref<1x!tpu.dma_semaphore, #tpu.memory_space<semaphore_mem>>
    %dma_start3A_51 = tpu.memref_squeeze %dma_start3A_50 : memref<1x!tpu.dma_semaphore, #tpu.memory_space<semaphore_mem>> -> memref<!tpu.dma_semaphore, #tpu.memory_space<semaphore_mem>>
    tpu.enqueue_indirect_dma source(%dma_start3A_49 : memref<100000x128xf32, #tpu.memory_space<hbm>>) target(%dma_start3A_43 : memref<32x128xf32, #tpu.memory_space<vmem>>) offsets(%dma_start3A_46 : memref<32xi32, #tpu.memory_space<vmem>>) semaphore(%dma_start3A_51 : memref<!tpu.dma_semaphore, #tpu.memory_space<semaphore_mem>>)
    %dma_start3A_52 = arith.constant 0 : i32
    %dma_start3A_53 = arith.constant 0 : i32
    %dma_start3A_54 = arith.constant 1 : i32
    %dma_start3A_55 = arith.constant 1 : i32
    %dma_start3A_56 = arith.constant 32 : i32
    %dma_start3A_57 = arith.constant 0 : i32
    %dma_start3A_58 = tpu.memref_slice %arg8[%dma_start3A_54, %dma_start3A_56, %dma_start3A_57] : memref<2x64x128xf32, #tpu.memory_space<vmem>> -> memref<1x32x128xf32, #tpu.memory_space<vmem>>
    %dma_start3A_59 = tpu.memref_squeeze %dma_start3A_58 : memref<1x32x128xf32, #tpu.memory_space<vmem>> -> memref<32x128xf32, #tpu.memory_space<vmem>>
    %dma_start3A_60 = arith.constant 96 : i32
    %dma_start3A_61 = tpu.memref_slice %arg7[%dma_start3A_52, %dma_start3A_53, %dma_start3A_60] : memref<2x8x128xi32, #tpu.memory_space<vmem>> -> memref<1x1x32xi32, #tpu.memory_space<vmem>>
    %dma_start3A_62 = tpu.memref_squeeze %dma_start3A_61 : memref<1x1x32xi32, #tpu.memory_space<vmem>> -> memref<32xi32, #tpu.memory_space<vmem>>
    %dma_start3A_63 = arith.constant 0 : i32
    %dma_start3A_64 = arith.constant 0 : i32
    %dma_start3A_65 = tpu.memref_slice %arg3[%dma_start3A_63, %dma_start3A_64] : memref<100000x128xf32, #tpu.memory_space<hbm>> -> memref<100000x128xf32, #tpu.memory_space<hbm>>
    %dma_start3A_66 = tpu.memref_slice %arg10[%dma_start3A_55] : memref<2x!tpu.dma_semaphore, #tpu.memory_space<semaphore_mem>> -> memref<1x!tpu.dma_semaphore, #tpu.memory_space<semaphore_mem>>
    %dma_start3A_67 = tpu.memref_squeeze %dma_start3A_66 : memref<1x!tpu.dma_semaphore, #tpu.memory_space<semaphore_mem>> -> memref<!tpu.dma_semaphore, #tpu.memory_space<semaphore_mem>>
    tpu.enqueue_indirect_dma source(%dma_start3A_65 : memref<100000x128xf32, #tpu.memory_space<hbm>>) target(%dma_start3A_59 : memref<32x128xf32, #tpu.memory_space<vmem>>) offsets(%dma_start3A_62 : memref<32xi32, #tpu.memory_space<vmem>>) semaphore(%dma_start3A_67 : memref<!tpu.dma_semaphore, #tpu.memory_space<semaphore_mem>>)
    %scan3A = arith.constant 0 : i32
    %scan3A_68 = arith.constant 0 : i32
    %scan3A_69 = arith.constant 200 : i32
    %scan3A_70 = arith.addi %scan3A_68, %scan3A_69 : i32
    %scan3A_71 = arith.constant 1 : i32
    scf.for %scan3A_108 = %scan3A_68 to %scan3A_70 step %scan3A_71  : i32 {
      %mul3A_109 = arith.constant 2 : i32
      %mul3A_110 = arith.muli %scan3A_108, %mul3A_109 : i32
      %add3A_111 = arith.constant 0 : i32
      %add3A_112 = arith.addi %mul3A_110, %add3A_111 : i32
      %dma_wait3A_113 = arith.constant 0 : i32
      %dma_wait3A_114 = arith.constant 0 : i32
      %dma_wait3A_115 = arith.constant 0 : i32
      %dma_wait3A_116 = arith.constant 0 : i32
      %dma_wait3A_117 = tpu.memref_slice %arg8[%dma_wait3A_113, %dma_wait3A_115, %dma_wait3A_116] : memref<2x64x128xf32, #tpu.memory_space<vmem>> -> memref<1x64x128xf32, #tpu.memory_space<vmem>>
      %dma_wait3A_118 = tpu.memref_squeeze %dma_wait3A_117 : memref<1x64x128xf32, #tpu.memory_space<vmem>> -> memref<64x128xf32, #tpu.memory_space<vmem>>
      %dma_wait3A_119 = arith.constant 0 : i32
      %dma_wait3A_120 = arith.constant 0 : i32
      %dma_wait3A_121 = tpu.memref_slice %arg3[%dma_wait3A_119, %dma_wait3A_120] : memref<100000x128xf32, #tpu.memory_space<hbm>> -> memref<64x128xf32, #tpu.memory_space<hbm>>
      %dma_wait3A_122 = tpu.memref_slice %arg10[%dma_wait3A_114] : memref<2x!tpu.dma_semaphore, #tpu.memory_space<semaphore_mem>> -> memref<1x!tpu.dma_semaphore, #tpu.memory_space<semaphore_mem>>
      %dma_wait3A_123 = tpu.memref_squeeze %dma_wait3A_122 : memref<1x!tpu.dma_semaphore, #tpu.memory_space<semaphore_mem>> -> memref<!tpu.dma_semaphore, #tpu.memory_space<semaphore_mem>>
      %dma_wait3A_124 = arith.constant 0 : i32
      %dma_wait3A_125 = arith.constant 0 : i32
      %dma_wait3A_126 = tpu.memref_slice %arg8[%dma_wait3A_113, %dma_wait3A_124, %dma_wait3A_125] : memref<2x64x128xf32, #tpu.memory_space<vmem>> -> memref<1x64x128xf32, #tpu.memory_space<vmem>>
      %dma_wait3A_127 = tpu.memref_squeeze %dma_wait3A_126 : memref<1x64x128xf32, #tpu.memory_space<vmem>> -> memref<64x128xf32, #tpu.memory_space<vmem>>
      %dma_wait3A_128 = arith.constant 0 : i32
      %dma_wait3A_129 = arith.constant 0 : i32
      %dma_wait3A_130 = tpu.memref_slice %arg3[%dma_wait3A_128, %dma_wait3A_129] : memref<100000x128xf32, #tpu.memory_space<hbm>> -> memref<64x128xf32, #tpu.memory_space<hbm>>
      tpu.wait_dma2 semaphore(%dma_wait3A_123 : memref<!tpu.dma_semaphore, #tpu.memory_space<semaphore_mem>>) src(%dma_wait3A_130 : memref<64x128xf32, #tpu.memory_space<hbm>>) dst(%dma_wait3A_127 : memref<64x128xf32, #tpu.memory_space<vmem>>)
      %gt3A = arith.constant 0 : i32
      %gt3A_131 = arith.cmpi sgt, %scan3A_108, %gt3A : i32
      %convert_element_type3A = arith.extui %gt3A_131 : i1 to i32
      %cond3A = arith.constant 0 : i32
      %cond3A_132 = arith.cmpi ne, %convert_element_type3A, %cond3A : i32
      scf.if %cond3A_132 {
        %dma_wait3A_241 = arith.constant 0 : i32
        %dma_wait3A_242 = arith.constant 0 : i32
        %dma_wait3A_243 = arith.constant 0 : i32
        %dma_wait3A_244 = arith.constant 0 : i32
        %dma_wait3A_245 = tpu.memref_slice %arg9[%dma_wait3A_241, %dma_wait3A_243, %dma_wait3A_244] : memref<2x64x64xf32, #tpu.memory_space<vmem>> -> memref<1x64x64xf32, #tpu.memory_space<vmem>>
        %dma_wait3A_246 = tpu.memref_squeeze %dma_wait3A_245 : memref<1x64x64xf32, #tpu.memory_space<vmem>> -> memref<64x64xf32, #tpu.memory_space<vmem>>
        %dma_wait3A_247 = arith.constant 0 : i32
        %dma_wait3A_248 = arith.constant 0 : i32
        %dma_wait3A_249 = tpu.memref_slice %arg5[%dma_wait3A_247, %dma_wait3A_248] : memref<819200x64xf32, #tpu.memory_space<hbm>> -> memref<64x64xf32, #tpu.memory_space<hbm>>
        %dma_wait3A_250 = tpu.memref_slice %arg11[%dma_wait3A_242] : memref<2x!tpu.dma_semaphore, #tpu.memory_space<semaphore_mem>> -> memref<1x!tpu.dma_semaphore, #tpu.memory_space<semaphore_mem>>
        %dma_wait3A_251 = tpu.memref_squeeze %dma_wait3A_250 : memref<1x!tpu.dma_semaphore, #tpu.memory_space<semaphore_mem>> -> memref<!tpu.dma_semaphore, #tpu.memory_space<semaphore_mem>>
        %dma_wait3A_252 = arith.constant 0 : i32
        %dma_wait3A_253 = arith.constant 0 : i32
        %dma_wait3A_254 = tpu.memref_slice %arg5[%dma_wait3A_252, %dma_wait3A_253] : memref<819200x64xf32, #tpu.memory_space<hbm>> -> memref<64x64xf32, #tpu.memory_space<hbm>>
        %dma_wait3A_255 = arith.constant 0 : i32
        %dma_wait3A_256 = arith.constant 0 : i32
        %dma_wait3A_257 = tpu.memref_slice %arg9[%dma_wait3A_241, %dma_wait3A_255, %dma_wait3A_256] : memref<2x64x64xf32, #tpu.memory_space<vmem>> -> memref<1x64x64xf32, #tpu.memory_space<vmem>>
        %dma_wait3A_258 = tpu.memref_squeeze %dma_wait3A_257 : memref<1x64x64xf32, #tpu.memory_space<vmem>> -> memref<64x64xf32, #tpu.memory_space<vmem>>
        tpu.wait_dma2 semaphore(%dma_wait3A_251 : memref<!tpu.dma_semaphore, #tpu.memory_space<semaphore_mem>>) src(%dma_wait3A_258 : memref<64x64xf32, #tpu.memory_space<vmem>>) dst(%dma_wait3A_254 : memref<64x64xf32, #tpu.memory_space<hbm>>)
      } else {
      }
      %mul3A_133 = arith.constant 32 : i32
      %mul3A_134 = arith.muli %add3A_112, %mul3A_133 : i32
      %rem3A = arith.constant 100 : i32
      %rem3A_135 = arith.remsi %mul3A_134, %rem3A : i32
      %scan3A_136 = arith.constant 0 : i32
      %scan3A_137 = arith.constant 0 : i32
      %scan3A_138 = arith.constant 16 : i32
      %scan3A_139 = arith.addi %scan3A_137, %scan3A_138 : i32
      %scan3A_140 = arith.constant 1 : i32
      scf.for %scan3A_241 = %scan3A_137 to %scan3A_139 step %scan3A_140  : i32 {
        %mul3A_242 = arith.constant 2 : i32
        %mul3A_243 = arith.muli %mul3A_242, %scan3A_241 : i32
        %add3A_244 = arith.constant 0 : i32
        %add3A_245 = arith.addi %mul3A_243, %add3A_244 : i32
        %mul3A_246 = arith.constant 2 : i32
        %mul3A_247 = arith.muli %mul3A_246, %add3A_245 : i32
        %add3A_248 = arith.constant 0 : i32
        %add3A_249 = arith.addi %mul3A_247, %add3A_248 : i32
        %get3A = arith.constant 0 : i32
        %get3A_250 = arith.index_cast %get3A : i32 to index
        %get3A_251 = arith.index_cast %add3A_249 : i32 to index
        %get3A_252 = arith.constant 0 : index
        %get3A_253 = tpu.vector_load %arg8[%get3A_250, %get3A_251, %get3A_252] {strides = array<i32>} : memref<2x64x128xf32, #tpu.memory_space<vmem>>, vector<1x1x16xf32>,
        %get3A_254 = vector.shape_cast %get3A_253 : vector<1x1x16xf32> to vector<16xf32>
        %add3A_255 = arith.constant 0 : i32
        %add3A_256 = arith.addi %mul3A_243, %add3A_255 : i32
        %mul3A_257 = arith.constant 2 : i32
        %mul3A_258 = arith.muli %mul3A_257, %add3A_256 : i32
        %add3A_259 = arith.constant 0 : i32
        %add3A_260 = arith.addi %mul3A_258, %add3A_259 : i32
        %get3A_261 = arith.constant 0 : i32
        %get3A_262 = arith.index_cast %get3A_261 : i32 to index
        %get3A_263 = arith.index_cast %add3A_260 : i32 to index
        %get3A_264 = arith.constant 16 : index
        %get3A_265 = tpu.vector_load %arg8[%get3A_262, %get3A_263, %get3A_264] {strides = array<i32>} : memref<2x64x128xf32, #tpu.memory_space<vmem>>, vector<1x1x16xf32>,
        %get3A_266 = vector.shape_cast %get3A_265 : vector<1x1x16xf32> to vector<16xf32>
        %add3A_267 = arith.constant 0 : i32
        %add3A_268 = arith.addi %mul3A_243, %add3A_267 : i32
        %mul3A_269 = arith.constant 2 : i32
        %mul3A_270 = arith.muli %mul3A_269, %add3A_268 : i32
        %add3A_271 = arith.constant 0 : i32
        %add3A_272 = arith.addi %mul3A_270, %add3A_271 : i32
        %get3A_273 = arith.constant 0 : i32
        %get3A_274 = arith.index_cast %get3A_273 : i32 to index
        %get3A_275 = arith.index_cast %add3A_272 : i32 to index
        %get3A_276 = arith.constant 32 : index
        %get3A_277 = tpu.vector_load %arg8[%get3A_274, %get3A_275, %get3A_276] {strides = array<i32>} : memref<2x64x128xf32, #tpu.memory_space<vmem>>, vector<1x1x16xf32>,
        %get3A_278 = vector.shape_cast %get3A_277 : vector<1x1x16xf32> to vector<16xf32>
        %add3A_279 = arith.constant 0 : i32
        %add3A_280 = arith.addi %mul3A_243, %add3A_279 : i32
        %mul3A_281 = arith.constant 2 : i32
        %mul3A_282 = arith.muli %mul3A_281, %add3A_280 : i32
        %add3A_283 = arith.constant 0 : i32
        %add3A_284 = arith.addi %mul3A_282, %add3A_283 : i32
        %get3A_285 = arith.constant 0 : i32
        %get3A_286 = arith.index_cast %get3A_285 : i32 to index
        %get3A_287 = arith.index_cast %add3A_284 : i32 to index
        %get3A_288 = arith.constant 48 : index
        %get3A_289 = tpu.vector_load %arg8[%get3A_286, %get3A_287, %get3A_288] {strides = array<i32>} : memref<2x64x128xf32, #tpu.memory_space<vmem>>, vector<1x1x16xf32>,
        %get3A_290 = vector.shape_cast %get3A_289 : vector<1x1x16xf32> to vector<16xf32>
        %add3A_291 = arith.constant 0 : i32
        %add3A_292 = arith.addi %mul3A_243, %add3A_291 : i32
        %mul3A_293 = arith.constant 2 : i32
        %mul3A_294 = arith.muli %mul3A_293, %add3A_292 : i32
        %add3A_295 = arith.constant 1 : i32
        %add3A_296 = arith.addi %mul3A_294, %add3A_295 : i32
        %get3A_297 = arith.constant 0 : i32
        %get3A_298 = arith.index_cast %get3A_297 : i32 to index
        %get3A_299 = arith.index_cast %add3A_296 : i32 to index
        %get3A_300 = arith.constant 0 : index
        %get3A_301 = tpu.vector_load %arg8[%get3A_298, %get3A_299, %get3A_300] {strides = array<i32>} : memref<2x64x128xf32, #tpu.memory_space<vmem>>, vector<1x1x16xf32>,
        %get3A_302 = vector.shape_cast %get3A_301 : vector<1x1x16xf32> to vector<16xf32>
        %add3A_303 = arith.constant 0 : i32
        %add3A_304 = arith.addi %mul3A_243, %add3A_303 : i32
        %mul3A_305 = arith.constant 2 : i32
        %mul3A_306 = arith.muli %mul3A_305, %add3A_304 : i32
        %add3A_307 = arith.constant 1 : i32
        %add3A_308 = arith.addi %mul3A_306, %add3A_307 : i32
        %get3A_309 = arith.constant 0 : i32
        %get3A_310 = arith.index_cast %get3A_309 : i32 to index
        %get3A_311 = arith.index_cast %add3A_308 : i32 to index
        %get3A_312 = arith.constant 16 : index
        %get3A_313 = tpu.vector_load %arg8[%get3A_310, %get3A_311, %get3A_312] {strides = array<i32>} : memref<2x64x128xf32, #tpu.memory_space<vmem>>, vector<1x1x16xf32>,
        %get3A_314 = vector.shape_cast %get3A_313 : vector<1x1x16xf32> to vector<16xf32>
        %add3A_315 = arith.constant 0 : i32
        %add3A_316 = arith.addi %mul3A_243, %add3A_315 : i32
        %mul3A_317 = arith.constant 2 : i32
        %mul3A_318 = arith.muli %mul3A_317, %add3A_316 : i32
        %add3A_319 = arith.constant 1 : i32
        %add3A_320 = arith.addi %mul3A_318, %add3A_319 : i32
        %get3A_321 = arith.constant 0 : i32
        %get3A_322 = arith.index_cast %get3A_321 : i32 to index
        %get3A_323 = arith.index_cast %add3A_320 : i32 to index
        %get3A_324 = arith.constant 32 : index
        %get3A_325 = tpu.vector_load %arg8[%get3A_322, %get3A_323, %get3A_324] {strides = array<i32>} : memref<2x64x128xf32, #tpu.memory_space<vmem>>, vector<1x1x16xf32>,
        %get3A_326 = vector.shape_cast %get3A_325 : vector<1x1x16xf32> to vector<16xf32>
        %add3A_327 = arith.constant 0 : i32
        %add3A_328 = arith.addi %mul3A_243, %add3A_327 : i32
        %mul3A_329 = arith.constant 2 : i32
        %mul3A_330 = arith.muli %mul3A_329, %add3A_328 : i32
        %add3A_331 = arith.constant 1 : i32
        %add3A_332 = arith.addi %mul3A_330, %add3A_331 : i32
        %get3A_333 = arith.constant 0 : i32
        %get3A_334 = arith.index_cast %get3A_333 : i32 to index
        %get3A_335 = arith.index_cast %add3A_332 : i32 to index
        %get3A_336 = arith.constant 48 : index
        %get3A_337 = tpu.vector_load %arg8[%get3A_334, %get3A_335, %get3A_336] {strides = array<i32>} : memref<2x64x128xf32, #tpu.memory_space<vmem>>, vector<1x1x16xf32>,
        %get3A_338 = vector.shape_cast %get3A_337 : vector<1x1x16xf32> to vector<16xf32>
        %add3A_339 = arith.constant 1 : i32
        %add3A_340 = arith.addi %mul3A_243, %add3A_339 : i32
        %mul3A_341 = arith.constant 2 : i32
        %mul3A_342 = arith.muli %mul3A_341, %add3A_340 : i32
        %add3A_343 = arith.constant 0 : i32
        %add3A_344 = arith.addi %mul3A_342, %add3A_343 : i32
        %get3A_345 = arith.constant 0 : i32
        %get3A_346 = arith.index_cast %get3A_345 : i32 to index
        %get3A_347 = arith.index_cast %add3A_344 : i32 to index
        %get3A_348 = arith.constant 0 : index
        %get3A_349 = tpu.vector_load %arg8[%get3A_346, %get3A_347, %get3A_348] {strides = array<i32>} : memref<2x64x128xf32, #tpu.memory_space<vmem>>, vector<1x1x16xf32>,
        %get3A_350 = vector.shape_cast %get3A_349 : vector<1x1x16xf32> to vector<16xf32>
        %add3A_351 = arith.constant 1 : i32
        %add3A_352 = arith.addi %mul3A_243, %add3A_351 : i32
        %mul3A_353 = arith.constant 2 : i32
        %mul3A_354 = arith.muli %mul3A_353, %add3A_352 : i32
        %add3A_355 = arith.constant 0 : i32
        %add3A_356 = arith.addi %mul3A_354, %add3A_355 : i32
        %get3A_357 = arith.constant 0 : i32
        %get3A_358 = arith.index_cast %get3A_357 : i32 to index
        %get3A_359 = arith.index_cast %add3A_356 : i32 to index
        %get3A_360 = arith.constant 16 : index
        %get3A_361 = tpu.vector_load %arg8[%get3A_358, %get3A_359, %get3A_360] {strides = array<i32>} : memref<2x64x128xf32, #tpu.memory_space<vmem>>, vector<1x1x16xf32>,
        %get3A_362 = vector.shape_cast %get3A_361 : vector<1x1x16xf32> to vector<16xf32>
        %add3A_363 = arith.constant 1 : i32
        %add3A_364 = arith.addi %mul3A_243, %add3A_363 : i32
        %mul3A_365 = arith.constant 2 : i32
        %mul3A_366 = arith.muli %mul3A_365, %add3A_364 : i32
        %add3A_367 = arith.constant 0 : i32
        %add3A_368 = arith.addi %mul3A_366, %add3A_367 : i32
        %get3A_369 = arith.constant 0 : i32
        %get3A_370 = arith.index_cast %get3A_369 : i32 to index
        %get3A_371 = arith.index_cast %add3A_368 : i32 to index
        %get3A_372 = arith.constant 32 : index
        %get3A_373 = tpu.vector_load %arg8[%get3A_370, %get3A_371, %get3A_372] {strides = array<i32>} : memref<2x64x128xf32, #tpu.memory_space<vmem>>, vector<1x1x16xf32>,
        %get3A_374 = vector.shape_cast %get3A_373 : vector<1x1x16xf32> to vector<16xf32>
        %add3A_375 = arith.constant 1 : i32
        %add3A_376 = arith.addi %mul3A_243, %add3A_375 : i32
        %mul3A_377 = arith.constant 2 : i32
        %mul3A_378 = arith.muli %mul3A_377, %add3A_376 : i32
        %add3A_379 = arith.constant 0 : i32
        %add3A_380 = arith.addi %mul3A_378, %add3A_379 : i32
        %get3A_381 = arith.constant 0 : i32
        %get3A_382 = arith.index_cast %get3A_381 : i32 to index
        %get3A_383 = arith.index_cast %add3A_380 : i32 to index
        %get3A_384 = arith.constant 48 : index
        %get3A_385 = tpu.vector_load %arg8[%get3A_382, %get3A_383, %get3A_384] {strides = array<i32>} : memref<2x64x128xf32, #tpu.memory_space<vmem>>, vector<1x1x16xf32>,
        %get3A_386 = vector.shape_cast %get3A_385 : vector<1x1x16xf32> to vector<16xf32>
        %add3A_387 = arith.constant 1 : i32
        %add3A_388 = arith.addi %mul3A_243, %add3A_387 : i32
        %mul3A_389 = arith.constant 2 : i32
        %mul3A_390 = arith.muli %mul3A_389, %add3A_388 : i32
        %add3A_391 = arith.constant 1 : i32
        %add3A_392 = arith.addi %mul3A_390, %add3A_391 : i32
        %get3A_393 = arith.constant 0 : i32
        %get3A_394 = arith.index_cast %get3A_393 : i32 to index
        %get3A_395 = arith.index_cast %add3A_392 : i32 to index
        %get3A_396 = arith.constant 0 : index
        %get3A_397 = tpu.vector_load %arg8[%get3A_394, %get3A_395, %get3A_396] {strides = array<i32>} : memref<2x64x128xf32, #tpu.memory_space<vmem>>, vector<1x1x16xf32>,
        %get3A_398 = vector.shape_cast %get3A_397 : vector<1x1x16xf32> to vector<16xf32>
        %add3A_399 = arith.constant 1 : i32
        %add3A_400 = arith.addi %mul3A_243, %add3A_399 : i32
        %mul3A_401 = arith.constant 2 : i32
        %mul3A_402 = arith.muli %mul3A_401, %add3A_400 : i32
        %add3A_403 = arith.constant 1 : i32
        %add3A_404 = arith.addi %mul3A_402, %add3A_403 : i32
        %get3A_405 = arith.constant 0 : i32
        %get3A_406 = arith.index_cast %get3A_405 : i32 to index
        %get3A_407 = arith.index_cast %add3A_404 : i32 to index
        %get3A_408 = arith.constant 16 : index
        %get3A_409 = tpu.vector_load %arg8[%get3A_406, %get3A_407, %get3A_408] {strides = array<i32>} : memref<2x64x128xf32, #tpu.memory_space<vmem>>, vector<1x1x16xf32>,
        %get3A_410 = vector.shape_cast %get3A_409 : vector<1x1x16xf32> to vector<16xf32>
        %add3A_411 = arith.constant 1 : i32
        %add3A_412 = arith.addi %mul3A_243, %add3A_411 : i32
        %mul3A_413 = arith.constant 2 : i32
        %mul3A_414 = arith.muli %mul3A_413, %add3A_412 : i32
        %add3A_415 = arith.constant 1 : i32
        %add3A_416 = arith.addi %mul3A_414, %add3A_415 : i32
        %get3A_417 = arith.constant 0 : i32
        %get3A_418 = arith.index_cast %get3A_417 : i32 to index
        %get3A_419 = arith.index_cast %add3A_416 : i32 to index
        %get3A_420 = arith.constant 32 : index
        %get3A_421 = tpu.vector_load %arg8[%get3A_418, %get3A_419, %get3A_420] {strides = array<i32>} : memref<2x64x128xf32, #tpu.memory_space<vmem>>, vector<1x1x16xf32>,
        %get3A_422 = vector.shape_cast %get3A_421 : vector<1x1x16xf32> to vector<16xf32>
        %add3A_423 = arith.constant 1 : i32
        %add3A_424 = arith.addi %mul3A_243, %add3A_423 : i32
        %mul3A_425 = arith.constant 2 : i32
        %mul3A_426 = arith.muli %mul3A_425, %add3A_424 : i32
        %add3A_427 = arith.constant 1 : i32
        %add3A_428 = arith.addi %mul3A_426, %add3A_427 : i32
        %get3A_429 = arith.constant 0 : i32
        %get3A_430 = arith.index_cast %get3A_429 : i32 to index
        %get3A_431 = arith.index_cast %add3A_428 : i32 to index
        %get3A_432 = arith.constant 48 : index
        %get3A_433 = tpu.vector_load %arg8[%get3A_430, %get3A_431, %get3A_432] {strides = array<i32>} : memref<2x64x128xf32, #tpu.memory_space<vmem>>, vector<1x1x16xf32>,
        %get3A_434 = vector.shape_cast %get3A_433 : vector<1x1x16xf32> to vector<16xf32>
        %add3A_435 = arith.addi %rem3A_135, %mul3A_243 : i32
        %add3A_436 = arith.constant 0 : i32
        %add3A_437 = arith.addi %add3A_435, %add3A_436 : i32
        %get3A_438 = arith.index_cast %add3A_437 : i32 to index
        %get3A_439 = arith.constant 0 : index
        %get3A_440 = tpu.vector_load %arg6[%get3A_438, %get3A_439] {strides = array<i32>} : memref<200x128xf32, #tpu.memory_space<vmem>>, vector<1x16xf32>,
        %get3A_441 = vector.shape_cast %get3A_440 : vector<1x16xf32> to vector<16xf32>
        %add3A_442 = arith.addi %rem3A_135, %mul3A_243 : i32
        %add3A_443 = arith.constant 0 : i32
        %add3A_444 = arith.addi %add3A_442, %add3A_443 : i32
        %get3A_445 = arith.index_cast %add3A_444 : i32 to index
        %get3A_446 = arith.constant 16 : index
        %get3A_447 = tpu.vector_load %arg6[%get3A_445, %get3A_446] {strides = array<i32>} : memref<200x128xf32, #tpu.memory_space<vmem>>, vector<1x16xf32>,
        %get3A_448 = vector.shape_cast %get3A_447 : vector<1x16xf32> to vector<16xf32>
        %add3A_449 = arith.addi %rem3A_135, %mul3A_243 : i32
        %add3A_450 = arith.constant 0 : i32
        %add3A_451 = arith.addi %add3A_449, %add3A_450 : i32
        %get3A_452 = arith.index_cast %add3A_451 : i32 to index
        %get3A_453 = arith.constant 32 : index
        %get3A_454 = tpu.vector_load %arg6[%get3A_452, %get3A_453] {strides = array<i32>} : memref<200x128xf32, #tpu.memory_space<vmem>>, vector<1x16xf32>,
        %get3A_455 = vector.shape_cast %get3A_454 : vector<1x16xf32> to vector<16xf32>
        %add3A_456 = arith.addi %rem3A_135, %mul3A_243 : i32
        %add3A_457 = arith.constant 0 : i32
        %add3A_458 = arith.addi %add3A_456, %add3A_457 : i32
        %get3A_459 = arith.index_cast %add3A_458 : i32 to index
        %get3A_460 = arith.constant 48 : index
        %get3A_461 = tpu.vector_load %arg6[%get3A_459, %get3A_460] {strides = array<i32>} : memref<200x128xf32, #tpu.memory_space<vmem>>, vector<1x16xf32>,
        %get3A_462 = vector.shape_cast %get3A_461 : vector<1x16xf32> to vector<16xf32>
        %add3A_463 = arith.addi %rem3A_135, %mul3A_243 : i32
        %add3A_464 = arith.constant 0 : i32
        %add3A_465 = arith.addi %add3A_463, %add3A_464 : i32
        %get3A_466 = arith.index_cast %add3A_465 : i32 to index
        %get3A_467 = arith.constant 64 : index
        %get3A_468 = tpu.vector_load %arg6[%get3A_466, %get3A_467] {strides = array<i32>} : memref<200x128xf32, #tpu.memory_space<vmem>>, vector<1x16xf32>,
        %get3A_469 = vector.shape_cast %get3A_468 : vector<1x16xf32> to vector<16xf32>
        %add3A_470 = arith.addi %rem3A_135, %mul3A_243 : i32
        %add3A_471 = arith.constant 0 : i32
        %add3A_472 = arith.addi %add3A_470, %add3A_471 : i32
        %get3A_473 = arith.index_cast %add3A_472 : i32 to index
        %get3A_474 = arith.constant 80 : index
        %get3A_475 = tpu.vector_load %arg6[%get3A_473, %get3A_474] {strides = array<i32>} : memref<200x128xf32, #tpu.memory_space<vmem>>, vector<1x16xf32>,
        %get3A_476 = vector.shape_cast %get3A_475 : vector<1x16xf32> to vector<16xf32>
        %add3A_477 = arith.addi %rem3A_135, %mul3A_243 : i32
        %add3A_478 = arith.constant 0 : i32
        %add3A_479 = arith.addi %add3A_477, %add3A_478 : i32
        %get3A_480 = arith.index_cast %add3A_479 : i32 to index
        %get3A_481 = arith.constant 96 : index
        %get3A_482 = tpu.vector_load %arg6[%get3A_480, %get3A_481] {strides = array<i32>} : memref<200x128xf32, #tpu.memory_space<vmem>>, vector<1x16xf32>,
        %get3A_483 = vector.shape_cast %get3A_482 : vector<1x16xf32> to vector<16xf32>
        %add3A_484 = arith.addi %rem3A_135, %mul3A_243 : i32
        %add3A_485 = arith.constant 0 : i32
        %add3A_486 = arith.addi %add3A_484, %add3A_485 : i32
        %get3A_487 = arith.index_cast %add3A_486 : i32 to index
        %get3A_488 = arith.constant 112 : index
        %get3A_489 = tpu.vector_load %arg6[%get3A_487, %get3A_488] {strides = array<i32>} : memref<200x128xf32, #tpu.memory_space<vmem>>, vector<1x16xf32>,
        %get3A_490 = vector.shape_cast %get3A_489 : vector<1x16xf32> to vector<16xf32>
        %add3A_491 = arith.addi %rem3A_135, %mul3A_243 : i32
        %add3A_492 = arith.constant 1 : i32
        %add3A_493 = arith.addi %add3A_491, %add3A_492 : i32
        %get3A_494 = arith.index_cast %add3A_493 : i32 to index
        %get3A_495 = arith.constant 0 : index
        %get3A_496 = tpu.vector_load %arg6[%get3A_494, %get3A_495] {strides = array<i32>} : memref<200x128xf32, #tpu.memory_space<vmem>>, vector<1x16xf32>,
        %get3A_497 = vector.shape_cast %get3A_496 : vector<1x16xf32> to vector<16xf32>
        %add3A_498 = arith.addi %rem3A_135, %mul3A_243 : i32
        %add3A_499 = arith.constant 1 : i32
        %add3A_500 = arith.addi %add3A_498, %add3A_499 : i32
        %get3A_501 = arith.index_cast %add3A_500 : i32 to index
        %get3A_502 = arith.constant 16 : index
        %get3A_503 = tpu.vector_load %arg6[%get3A_501, %get3A_502] {strides = array<i32>} : memref<200x128xf32, #tpu.memory_space<vmem>>, vector<1x16xf32>,
        %get3A_504 = vector.shape_cast %get3A_503 : vector<1x16xf32> to vector<16xf32>
        %add3A_505 = arith.addi %rem3A_135, %mul3A_243 : i32
        %add3A_506 = arith.constant 1 : i32
        %add3A_507 = arith.addi %add3A_505, %add3A_506 : i32
        %get3A_508 = arith.index_cast %add3A_507 : i32 to index
        %get3A_509 = arith.constant 32 : index
        %get3A_510 = tpu.vector_load %arg6[%get3A_508, %get3A_509] {strides = array<i32>} : memref<200x128xf32, #tpu.memory_space<vmem>>, vector<1x16xf32>,
        %get3A_511 = vector.shape_cast %get3A_510 : vector<1x16xf32> to vector<16xf32>
        %add3A_512 = arith.addi %rem3A_135, %mul3A_243 : i32
        %add3A_513 = arith.constant 1 : i32
        %add3A_514 = arith.addi %add3A_512, %add3A_513 : i32
        %get3A_515 = arith.index_cast %add3A_514 : i32 to index
        %get3A_516 = arith.constant 48 : index
        %get3A_517 = tpu.vector_load %arg6[%get3A_515, %get3A_516] {strides = array<i32>} : memref<200x128xf32, #tpu.memory_space<vmem>>, vector<1x16xf32>,
        %get3A_518 = vector.shape_cast %get3A_517 : vector<1x16xf32> to vector<16xf32>
        %add3A_519 = arith.addi %rem3A_135, %mul3A_243 : i32
        %add3A_520 = arith.constant 1 : i32
        %add3A_521 = arith.addi %add3A_519, %add3A_520 : i32
        %get3A_522 = arith.index_cast %add3A_521 : i32 to index
        %get3A_523 = arith.constant 64 : index
        %get3A_524 = tpu.vector_load %arg6[%get3A_522, %get3A_523] {strides = array<i32>} : memref<200x128xf32, #tpu.memory_space<vmem>>, vector<1x16xf32>,
        %get3A_525 = vector.shape_cast %get3A_524 : vector<1x16xf32> to vector<16xf32>
        %add3A_526 = arith.addi %rem3A_135, %mul3A_243 : i32
        %add3A_527 = arith.constant 1 : i32
        %add3A_528 = arith.addi %add3A_526, %add3A_527 : i32
        %get3A_529 = arith.index_cast %add3A_528 : i32 to index
        %get3A_530 = arith.constant 80 : index
        %get3A_531 = tpu.vector_load %arg6[%get3A_529, %get3A_530] {strides = array<i32>} : memref<200x128xf32, #tpu.memory_space<vmem>>, vector<1x16xf32>,
        %get3A_532 = vector.shape_cast %get3A_531 : vector<1x16xf32> to vector<16xf32>
        %add3A_533 = arith.addi %rem3A_135, %mul3A_243 : i32
        %add3A_534 = arith.constant 1 : i32
        %add3A_535 = arith.addi %add3A_533, %add3A_534 : i32
        %get3A_536 = arith.index_cast %add3A_535 : i32 to index
        %get3A_537 = arith.constant 96 : index
        %get3A_538 = tpu.vector_load %arg6[%get3A_536, %get3A_537] {strides = array<i32>} : memref<200x128xf32, #tpu.memory_space<vmem>>, vector<1x16xf32>,
        %get3A_539 = vector.shape_cast %get3A_538 : vector<1x16xf32> to vector<16xf32>
        %add3A_540 = arith.addi %rem3A_135, %mul3A_243 : i32
        %add3A_541 = arith.constant 1 : i32
        %add3A_542 = arith.addi %add3A_540, %add3A_541 : i32
        %get3A_543 = arith.index_cast %add3A_542 : i32 to index
        %get3A_544 = arith.constant 112 : index
        %get3A_545 = tpu.vector_load %arg6[%get3A_543, %get3A_544] {strides = array<i32>} : memref<200x128xf32, #tpu.memory_space<vmem>>, vector<1x16xf32>,
        %get3A_546 = vector.shape_cast %get3A_545 : vector<1x16xf32> to vector<16xf32>
        %add3A_547 = arith.addf %get3A_254, %get3A_441 : vector<16xf32>
        %add3A_548 = arith.constant 0 : i32
        %add3A_549 = arith.addi %mul3A_243, %add3A_548 : i32
        %mul3A_550 = arith.constant 2 : i32
        %mul3A_551 = arith.muli %mul3A_550, %add3A_549 : i32
        %add3A_552 = arith.constant 0 : i32
        %add3A_553 = arith.addi %mul3A_551, %add3A_552 : i32
        %swap3A = arith.constant 0 : i32
        %swap3A_554 = arith.index_cast %swap3A : i32 to index
        %swap3A_555 = arith.index_cast %add3A_553 : i32 to index
        %swap3A_556 = arith.constant 0 : index
        %swap3A_557 = tpu.vector_load %arg9[%swap3A_554, %swap3A_555, %swap3A_556] {strides = array<i32>} : memref<2x64x64xf32, #tpu.memory_space<vmem>>, vector<1x1x16xf32>,
        %swap3A_558 = vector.shape_cast %swap3A_557 : vector<1x1x16xf32> to vector<16xf32>
        %swap3A_559 = vector.shape_cast %add3A_547 : vector<16xf32> to vector<1x1x16xf32>
        tpu.vector_store %arg9[%swap3A_554, %swap3A_555, %swap3A_556], %swap3A_559 {strides = array<i32>} : memref<2x64x64xf32, #tpu.memory_space<vmem>>, vector<1x1x16xf32>,
        %add3A_560 = arith.addf %get3A_266, %get3A_448 : vector<16xf32>
        %add3A_561 = arith.constant 0 : i32
        %add3A_562 = arith.addi %mul3A_243, %add3A_561 : i32
        %mul3A_563 = arith.constant 2 : i32
        %mul3A_564 = arith.muli %mul3A_563, %add3A_562 : i32
        %add3A_565 = arith.constant 0 : i32
        %add3A_566 = arith.addi %mul3A_564, %add3A_565 : i32
        %swap3A_567 = arith.constant 0 : i32
        %swap3A_568 = arith.index_cast %swap3A_567 : i32 to index
        %swap3A_569 = arith.index_cast %add3A_566 : i32 to index
        %swap3A_570 = arith.constant 16 : index
        %swap3A_571 = tpu.vector_load %arg9[%swap3A_568, %swap3A_569, %swap3A_570] {strides = array<i32>} : memref<2x64x64xf32, #tpu.memory_space<vmem>>, vector<1x1x16xf32>,
        %swap3A_572 = vector.shape_cast %swap3A_571 : vector<1x1x16xf32> to vector<16xf32>
        %swap3A_573 = vector.shape_cast %add3A_560 : vector<16xf32> to vector<1x1x16xf32>
        tpu.vector_store %arg9[%swap3A_568, %swap3A_569, %swap3A_570], %swap3A_573 {strides = array<i32>} : memref<2x64x64xf32, #tpu.memory_space<vmem>>, vector<1x1x16xf32>,
        %add3A_574 = arith.addf %get3A_278, %get3A_455 : vector<16xf32>
        %add3A_575 = arith.constant 0 : i32
        %add3A_576 = arith.addi %mul3A_243, %add3A_575 : i32
        %mul3A_577 = arith.constant 2 : i32
        %mul3A_578 = arith.muli %mul3A_577, %add3A_576 : i32
        %add3A_579 = arith.constant 0 : i32
        %add3A_580 = arith.addi %mul3A_578, %add3A_579 : i32
        %swap3A_581 = arith.constant 0 : i32
        %swap3A_582 = arith.index_cast %swap3A_581 : i32 to index
        %swap3A_583 = arith.index_cast %add3A_580 : i32 to index
        %swap3A_584 = arith.constant 32 : index
        %swap3A_585 = tpu.vector_load %arg9[%swap3A_582, %swap3A_583, %swap3A_584] {strides = array<i32>} : memref<2x64x64xf32, #tpu.memory_space<vmem>>, vector<1x1x16xf32>,
        %swap3A_586 = vector.shape_cast %swap3A_585 : vector<1x1x16xf32> to vector<16xf32>
        %swap3A_587 = vector.shape_cast %add3A_574 : vector<16xf32> to vector<1x1x16xf32>
        tpu.vector_store %arg9[%swap3A_582, %swap3A_583, %swap3A_584], %swap3A_587 {strides = array<i32>} : memref<2x64x64xf32, #tpu.memory_space<vmem>>, vector<1x1x16xf32>,
        %add3A_588 = arith.addf %get3A_290, %get3A_462 : vector<16xf32>
        %add3A_589 = arith.constant 0 : i32
        %add3A_590 = arith.addi %mul3A_243, %add3A_589 : i32
        %mul3A_591 = arith.constant 2 : i32
        %mul3A_592 = arith.muli %mul3A_591, %add3A_590 : i32
        %add3A_593 = arith.constant 0 : i32
        %add3A_594 = arith.addi %mul3A_592, %add3A_593 : i32
        %swap3A_595 = arith.constant 0 : i32
        %swap3A_596 = arith.index_cast %swap3A_595 : i32 to index
        %swap3A_597 = arith.index_cast %add3A_594 : i32 to index
        %swap3A_598 = arith.constant 48 : index
        %swap3A_599 = tpu.vector_load %arg9[%swap3A_596, %swap3A_597, %swap3A_598] {strides = array<i32>} : memref<2x64x64xf32, #tpu.memory_space<vmem>>, vector<1x1x16xf32>,
        %swap3A_600 = vector.shape_cast %swap3A_599 : vector<1x1x16xf32> to vector<16xf32>
        %swap3A_601 = vector.shape_cast %add3A_588 : vector<16xf32> to vector<1x1x16xf32>
        tpu.vector_store %arg9[%swap3A_596, %swap3A_597, %swap3A_598], %swap3A_601 {strides = array<i32>} : memref<2x64x64xf32, #tpu.memory_space<vmem>>, vector<1x1x16xf32>,
        %add3A_602 = arith.addf %get3A_302, %get3A_469 : vector<16xf32>
        %add3A_603 = arith.constant 0 : i32
        %add3A_604 = arith.addi %mul3A_243, %add3A_603 : i32
        %mul3A_605 = arith.constant 2 : i32
        %mul3A_606 = arith.muli %mul3A_605, %add3A_604 : i32
        %add3A_607 = arith.constant 1 : i32
        %add3A_608 = arith.addi %mul3A_606, %add3A_607 : i32
        %swap3A_609 = arith.constant 0 : i32
        %swap3A_610 = arith.index_cast %swap3A_609 : i32 to index
        %swap3A_611 = arith.index_cast %add3A_608 : i32 to index
        %swap3A_612 = arith.constant 0 : index
        %swap3A_613 = tpu.vector_load %arg9[%swap3A_610, %swap3A_611, %swap3A_612] {strides = array<i32>} : memref<2x64x64xf32, #tpu.memory_space<vmem>>, vector<1x1x16xf32>,
        %swap3A_614 = vector.shape_cast %swap3A_613 : vector<1x1x16xf32> to vector<16xf32>
        %swap3A_615 = vector.shape_cast %add3A_602 : vector<16xf32> to vector<1x1x16xf32>
        tpu.vector_store %arg9[%swap3A_610, %swap3A_611, %swap3A_612], %swap3A_615 {strides = array<i32>} : memref<2x64x64xf32, #tpu.memory_space<vmem>>, vector<1x1x16xf32>,
        %add3A_616 = arith.addf %get3A_314, %get3A_476 : vector<16xf32>
        %add3A_617 = arith.constant 0 : i32
        %add3A_618 = arith.addi %mul3A_243, %add3A_617 : i32
        %mul3A_619 = arith.constant 2 : i32
        %mul3A_620 = arith.muli %mul3A_619, %add3A_618 : i32
        %add3A_621 = arith.constant 1 : i32
        %add3A_622 = arith.addi %mul3A_620, %add3A_621 : i32
        %swap3A_623 = arith.constant 0 : i32
        %swap3A_624 = arith.index_cast %swap3A_623 : i32 to index
        %swap3A_625 = arith.index_cast %add3A_622 : i32 to index
        %swap3A_626 = arith.constant 16 : index
        %swap3A_627 = tpu.vector_load %arg9[%swap3A_624, %swap3A_625, %swap3A_626] {strides = array<i32>} : memref<2x64x64xf32, #tpu.memory_space<vmem>>, vector<1x1x16xf32>,
        %swap3A_628 = vector.shape_cast %swap3A_627 : vector<1x1x16xf32> to vector<16xf32>
        %swap3A_629 = vector.shape_cast %add3A_616 : vector<16xf32> to vector<1x1x16xf32>
        tpu.vector_store %arg9[%swap3A_624, %swap3A_625, %swap3A_626], %swap3A_629 {strides = array<i32>} : memref<2x64x64xf32, #tpu.memory_space<vmem>>, vector<1x1x16xf32>,
        %add3A_630 = arith.addf %get3A_326, %get3A_483 : vector<16xf32>
        %add3A_631 = arith.constant 0 : i32
        %add3A_632 = arith.addi %mul3A_243, %add3A_631 : i32
        %mul3A_633 = arith.constant 2 : i32
        %mul3A_634 = arith.muli %mul3A_633, %add3A_632 : i32
        %add3A_635 = arith.constant 1 : i32
        %add3A_636 = arith.addi %mul3A_634, %add3A_635 : i32
        %swap3A_637 = arith.constant 0 : i32
        %swap3A_638 = arith.index_cast %swap3A_637 : i32 to index
        %swap3A_639 = arith.index_cast %add3A_636 : i32 to index
        %swap3A_640 = arith.constant 32 : index
        %swap3A_641 = tpu.vector_load %arg9[%swap3A_638, %swap3A_639, %swap3A_640] {strides = array<i32>} : memref<2x64x64xf32, #tpu.memory_space<vmem>>, vector<1x1x16xf32>,
        %swap3A_642 = vector.shape_cast %swap3A_641 : vector<1x1x16xf32> to vector<16xf32>
        %swap3A_643 = vector.shape_cast %add3A_630 : vector<16xf32> to vector<1x1x16xf32>
        tpu.vector_store %arg9[%swap3A_638, %swap3A_639, %swap3A_640], %swap3A_643 {strides = array<i32>} : memref<2x64x64xf32, #tpu.memory_space<vmem>>, vector<1x1x16xf32>,
        %add3A_644 = arith.addf %get3A_338, %get3A_490 : vector<16xf32>
        %add3A_645 = arith.constant 0 : i32
        %add3A_646 = arith.addi %mul3A_243, %add3A_645 : i32
        %mul3A_647 = arith.constant 2 : i32
        %mul3A_648 = arith.muli %mul3A_647, %add3A_646 : i32
        %add3A_649 = arith.constant 1 : i32
        %add3A_650 = arith.addi %mul3A_648, %add3A_649 : i32
        %swap3A_651 = arith.constant 0 : i32
        %swap3A_652 = arith.index_cast %swap3A_651 : i32 to index
        %swap3A_653 = arith.index_cast %add3A_650 : i32 to index
        %swap3A_654 = arith.constant 48 : index
        %swap3A_655 = tpu.vector_load %arg9[%swap3A_652, %swap3A_653, %swap3A_654] {strides = array<i32>} : memref<2x64x64xf32, #tpu.memory_space<vmem>>, vector<1x1x16xf32>,
        %swap3A_656 = vector.shape_cast %swap3A_655 : vector<1x1x16xf32> to vector<16xf32>
        %swap3A_657 = vector.shape_cast %add3A_644 : vector<16xf32> to vector<1x1x16xf32>
        tpu.vector_store %arg9[%swap3A_652, %swap3A_653, %swap3A_654], %swap3A_657 {strides = array<i32>} : memref<2x64x64xf32, #tpu.memory_space<vmem>>, vector<1x1x16xf32>,
        %add3A_658 = arith.addf %get3A_350, %get3A_497 : vector<16xf32>
        %add3A_659 = arith.constant 1 : i32
        %add3A_660 = arith.addi %mul3A_243, %add3A_659 : i32
        %mul3A_661 = arith.constant 2 : i32
        %mul3A_662 = arith.muli %mul3A_661, %add3A_660 : i32
        %add3A_663 = arith.constant 0 : i32
        %add3A_664 = arith.addi %mul3A_662, %add3A_663 : i32
        %swap3A_665 = arith.constant 0 : i32
        %swap3A_666 = arith.index_cast %swap3A_665 : i32 to index
        %swap3A_667 = arith.index_cast %add3A_664 : i32 to index
        %swap3A_668 = arith.constant 0 : index
        %swap3A_669 = tpu.vector_load %arg9[%swap3A_666, %swap3A_667, %swap3A_668] {strides = array<i32>} : memref<2x64x64xf32, #tpu.memory_space<vmem>>, vector<1x1x16xf32>,
        %swap3A_670 = vector.shape_cast %swap3A_669 : vector<1x1x16xf32> to vector<16xf32>
        %swap3A_671 = vector.shape_cast %add3A_658 : vector<16xf32> to vector<1x1x16xf32>
        tpu.vector_store %arg9[%swap3A_666, %swap3A_667, %swap3A_668], %swap3A_671 {strides = array<i32>} : memref<2x64x64xf32, #tpu.memory_space<vmem>>, vector<1x1x16xf32>,
        %add3A_672 = arith.addf %get3A_362, %get3A_504 : vector<16xf32>
        %add3A_673 = arith.constant 1 : i32
        %add3A_674 = arith.addi %mul3A_243, %add3A_673 : i32
        %mul3A_675 = arith.constant 2 : i32
        %mul3A_676 = arith.muli %mul3A_675, %add3A_674 : i32
        %add3A_677 = arith.constant 0 : i32
        %add3A_678 = arith.addi %mul3A_676, %add3A_677 : i32
        %swap3A_679 = arith.constant 0 : i32
        %swap3A_680 = arith.index_cast %swap3A_679 : i32 to index
        %swap3A_681 = arith.index_cast %add3A_678 : i32 to index
        %swap3A_682 = arith.constant 16 : index
        %swap3A_683 = tpu.vector_load %arg9[%swap3A_680, %swap3A_681, %swap3A_682] {strides = array<i32>} : memref<2x64x64xf32, #tpu.memory_space<vmem>>, vector<1x1x16xf32>,
        %swap3A_684 = vector.shape_cast %swap3A_683 : vector<1x1x16xf32> to vector<16xf32>
        %swap3A_685 = vector.shape_cast %add3A_672 : vector<16xf32> to vector<1x1x16xf32>
        tpu.vector_store %arg9[%swap3A_680, %swap3A_681, %swap3A_682], %swap3A_685 {strides = array<i32>} : memref<2x64x64xf32, #tpu.memory_space<vmem>>, vector<1x1x16xf32>,
        %add3A_686 = arith.addf %get3A_374, %get3A_511 : vector<16xf32>
        %add3A_687 = arith.constant 1 : i32
        %add3A_688 = arith.addi %mul3A_243, %add3A_687 : i32
        %mul3A_689 = arith.constant 2 : i32
        %mul3A_690 = arith.muli %mul3A_689, %add3A_688 : i32
        %add3A_691 = arith.constant 0 : i32
        %add3A_692 = arith.addi %mul3A_690, %add3A_691 : i32
        %swap3A_693 = arith.constant 0 : i32
        %swap3A_694 = arith.index_cast %swap3A_693 : i32 to index
        %swap3A_695 = arith.index_cast %add3A_692 : i32 to index
        %swap3A_696 = arith.constant 32 : index
        %swap3A_697 = tpu.vector_load %arg9[%swap3A_694, %swap3A_695, %swap3A_696] {strides = array<i32>} : memref<2x64x64xf32, #tpu.memory_space<vmem>>, vector<1x1x16xf32>,
        %swap3A_698 = vector.shape_cast %swap3A_697 : vector<1x1x16xf32> to vector<16xf32>
        %swap3A_699 = vector.shape_cast %add3A_686 : vector<16xf32> to vector<1x1x16xf32>
        tpu.vector_store %arg9[%swap3A_694, %swap3A_695, %swap3A_696], %swap3A_699 {strides = array<i32>} : memref<2x64x64xf32, #tpu.memory_space<vmem>>, vector<1x1x16xf32>,
        %add3A_700 = arith.addf %get3A_386, %get3A_518 : vector<16xf32>
        %add3A_701 = arith.constant 1 : i32
        %add3A_702 = arith.addi %mul3A_243, %add3A_701 : i32
        %mul3A_703 = arith.constant 2 : i32
        %mul3A_704 = arith.muli %mul3A_703, %add3A_702 : i32
        %add3A_705 = arith.constant 0 : i32
        %add3A_706 = arith.addi %mul3A_704, %add3A_705 : i32
        %swap3A_707 = arith.constant 0 : i32
        %swap3A_708 = arith.index_cast %swap3A_707 : i32 to index
        %swap3A_709 = arith.index_cast %add3A_706 : i32 to index
        %swap3A_710 = arith.constant 48 : index
        %swap3A_711 = tpu.vector_load %arg9[%swap3A_708, %swap3A_709, %swap3A_710] {strides = array<i32>} : memref<2x64x64xf32, #tpu.memory_space<vmem>>, vector<1x1x16xf32>,
        %swap3A_712 = vector.shape_cast %swap3A_711 : vector<1x1x16xf32> to vector<16xf32>
        %swap3A_713 = vector.shape_cast %add3A_700 : vector<16xf32> to vector<1x1x16xf32>
        tpu.vector_store %arg9[%swap3A_708, %swap3A_709, %swap3A_710], %swap3A_713 {strides = array<i32>} : memref<2x64x64xf32, #tpu.memory_space<vmem>>, vector<1x1x16xf32>,
        %add3A_714 = arith.addf %get3A_398, %get3A_525 : vector<16xf32>
        %add3A_715 = arith.constant 1 : i32
        %add3A_716 = arith.addi %mul3A_243, %add3A_715 : i32
        %mul3A_717 = arith.constant 2 : i32
        %mul3A_718 = arith.muli %mul3A_717, %add3A_716 : i32
        %add3A_719 = arith.constant 1 : i32
        %add3A_720 = arith.addi %mul3A_718, %add3A_719 : i32
        %swap3A_721 = arith.constant 0 : i32
        %swap3A_722 = arith.index_cast %swap3A_721 : i32 to index
        %swap3A_723 = arith.index_cast %add3A_720 : i32 to index
        %swap3A_724 = arith.constant 0 : index
        %swap3A_725 = tpu.vector_load %arg9[%swap3A_722, %swap3A_723, %swap3A_724] {strides = array<i32>} : memref<2x64x64xf32, #tpu.memory_space<vmem>>, vector<1x1x16xf32>,
        %swap3A_726 = vector.shape_cast %swap3A_725 : vector<1x1x16xf32> to vector<16xf32>
        %swap3A_727 = vector.shape_cast %add3A_714 : vector<16xf32> to vector<1x1x16xf32>
        tpu.vector_store %arg9[%swap3A_722, %swap3A_723, %swap3A_724], %swap3A_727 {strides = array<i32>} : memref<2x64x64xf32, #tpu.memory_space<vmem>>, vector<1x1x16xf32>,
        %add3A_728 = arith.addf %get3A_410, %get3A_532 : vector<16xf32>
        %add3A_729 = arith.constant 1 : i32
        %add3A_730 = arith.addi %mul3A_243, %add3A_729 : i32
        %mul3A_731 = arith.constant 2 : i32
        %mul3A_732 = arith.muli %mul3A_731, %add3A_730 : i32
        %add3A_733 = arith.constant 1 : i32
        %add3A_734 = arith.addi %mul3A_732, %add3A_733 : i32
        %swap3A_735 = arith.constant 0 : i32
        %swap3A_736 = arith.index_cast %swap3A_735 : i32 to index
        %swap3A_737 = arith.index_cast %add3A_734 : i32 to index
        %swap3A_738 = arith.constant 16 : index
        %swap3A_739 = tpu.vector_load %arg9[%swap3A_736, %swap3A_737, %swap3A_738] {strides = array<i32>} : memref<2x64x64xf32, #tpu.memory_space<vmem>>, vector<1x1x16xf32>,
        %swap3A_740 = vector.shape_cast %swap3A_739 : vector<1x1x16xf32> to vector<16xf32>
        %swap3A_741 = vector.shape_cast %add3A_728 : vector<16xf32> to vector<1x1x16xf32>
        tpu.vector_store %arg9[%swap3A_736, %swap3A_737, %swap3A_738], %swap3A_741 {strides = array<i32>} : memref<2x64x64xf32, #tpu.memory_space<vmem>>, vector<1x1x16xf32>,
        %add3A_742 = arith.addf %get3A_422, %get3A_539 : vector<16xf32>
        %add3A_743 = arith.constant 1 : i32
        %add3A_744 = arith.addi %mul3A_243, %add3A_743 : i32
        %mul3A_745 = arith.constant 2 : i32
        %mul3A_746 = arith.muli %mul3A_745, %add3A_744 : i32
        %add3A_747 = arith.constant 1 : i32
        %add3A_748 = arith.addi %mul3A_746, %add3A_747 : i32
        %swap3A_749 = arith.constant 0 : i32
        %swap3A_750 = arith.index_cast %swap3A_749 : i32 to index
        %swap3A_751 = arith.index_cast %add3A_748 : i32 to index
        %swap3A_752 = arith.constant 32 : index
        %swap3A_753 = tpu.vector_load %arg9[%swap3A_750, %swap3A_751, %swap3A_752] {strides = array<i32>} : memref<2x64x64xf32, #tpu.memory_space<vmem>>, vector<1x1x16xf32>,
        %swap3A_754 = vector.shape_cast %swap3A_753 : vector<1x1x16xf32> to vector<16xf32>
        %swap3A_755 = vector.shape_cast %add3A_742 : vector<16xf32> to vector<1x1x16xf32>
        tpu.vector_store %arg9[%swap3A_750, %swap3A_751, %swap3A_752], %swap3A_755 {strides = array<i32>} : memref<2x64x64xf32, #tpu.memory_space<vmem>>, vector<1x1x16xf32>,
        %add3A_756 = arith.addf %get3A_434, %get3A_546 : vector<16xf32>
        %add3A_757 = arith.constant 1 : i32
        %add3A_758 = arith.addi %mul3A_243, %add3A_757 : i32
        %mul3A_759 = arith.constant 2 : i32
        %mul3A_760 = arith.muli %mul3A_759, %add3A_758 : i32
        %add3A_761 = arith.constant 1 : i32
        %add3A_762 = arith.addi %mul3A_760, %add3A_761 : i32
        %swap3A_763 = arith.constant 0 : i32
        %swap3A_764 = arith.index_cast %swap3A_763 : i32 to index
        %swap3A_765 = arith.index_cast %add3A_762 : i32 to index
        %swap3A_766 = arith.constant 48 : index
        %swap3A_767 = tpu.vector_load %arg9[%swap3A_764, %swap3A_765, %swap3A_766] {strides = array<i32>} : memref<2x64x64xf32, #tpu.memory_space<vmem>>, vector<1x1x16xf32>,
        %swap3A_768 = vector.shape_cast %swap3A_767 : vector<1x1x16xf32> to vector<16xf32>
        %swap3A_769 = vector.shape_cast %add3A_756 : vector<16xf32> to vector<1x1x16xf32>
        tpu.vector_store %arg9[%swap3A_764, %swap3A_765, %swap3A_766], %swap3A_769 {strides = array<i32>} : memref<2x64x64xf32, #tpu.memory_space<vmem>>, vector<1x1x16xf32>,
      }
      %scan3A_141 = arith.constant 16 : i32
      %add3A_142 = arith.addi %mul3A_4, %add3A_112 : i32
      %mul3A_143 = arith.constant 64 : i32
      %mul3A_144 = arith.muli %add3A_142, %mul3A_143 : i32
      %dma_start3A_145 = arith.constant 0 : i32
      %dma_start3A_146 = arith.constant 0 : i32
      %dma_start3A_147 = arith.constant 0 : i32
      %dma_start3A_148 = arith.constant 0 : i32
      %dma_start3A_149 = tpu.memref_slice %arg9[%dma_start3A_145, %dma_start3A_147, %dma_start3A_148] : memref<2x64x64xf32, #tpu.memory_space<vmem>> -> memref<1x64x64xf32, #tpu.memory_space<vmem>>
      %dma_start3A_150 = tpu.memref_squeeze %dma_start3A_149 : memref<1x64x64xf32, #tpu.memory_space<vmem>> -> memref<64x64xf32, #tpu.memory_space<vmem>>
      %dma_start3A_151 = arith.constant 0 : i32
      %dma_start3A_152 = tpu.memref_slice %arg5[%mul3A_144, %dma_start3A_151] : memref<819200x64xf32, #tpu.memory_space<hbm>> -> memref<64x64xf32, #tpu.memory_space<hbm>>
      %dma_start3A_153 = tpu.memref_slice %arg11[%dma_start3A_146] : memref<2x!tpu.dma_semaphore, #tpu.memory_space<semaphore_mem>> -> memref<1x!tpu.dma_semaphore, #tpu.memory_space<semaphore_mem>>
      %dma_start3A_154 = tpu.memref_squeeze %dma_start3A_153 : memref<1x!tpu.dma_semaphore, #tpu.memory_space<semaphore_mem>> -> memref<!tpu.dma_semaphore, #tpu.memory_space<semaphore_mem>>
      %dma_start3A_155 = arith.constant 0 : i32
      %dma_start3A_156 = tpu.memref_slice %arg5[%mul3A_144, %dma_start3A_155] : memref<819200x64xf32, #tpu.memory_space<hbm>> -> memref<64x64xf32, #tpu.memory_space<hbm>>
      %dma_start3A_157 = arith.constant 0 : i32
      %dma_start3A_158 = arith.constant 0 : i32
      %dma_start3A_159 = tpu.memref_slice %arg9[%dma_start3A_145, %dma_start3A_157, %dma_start3A_158] : memref<2x64x64xf32, #tpu.memory_space<vmem>> -> memref<1x64x64xf32, #tpu.memory_space<vmem>>
      %dma_start3A_160 = tpu.memref_squeeze %dma_start3A_159 : memref<1x64x64xf32, #tpu.memory_space<vmem>> -> memref<64x64xf32, #tpu.memory_space<vmem>>
      tpu.enqueue_dma source(%dma_start3A_160 : memref<64x64xf32, #tpu.memory_space<vmem>>) target(%dma_start3A_156 : memref<64x64xf32, #tpu.memory_space<hbm>>) target_semaphore(%dma_start3A_154 : memref<!tpu.dma_semaphore, #tpu.memory_space<semaphore_mem>>)
      %rem3A_161 = arith.constant 16 : i32
      %rem3A_162 = arith.remsi %add3A_112, %rem3A_161 : i32
      %eq3A = arith.constant 0 : i32
      %eq3A_163 = arith.cmpi eq, %rem3A_162, %eq3A : i32
      %convert_element_type3A_164 = arith.extui %eq3A_163 : i1 to i32
      %cond3A_165 = arith.constant 0 : i32
      %cond3A_166 = arith.cmpi ne, %convert_element_type3A_164, %cond3A_165 : i32
      scf.if %cond3A_166 {
        %add3A_241 = arith.constant 16 : i32
        %add3A_242 = arith.addi %add3A_112, %add3A_241 : i32
        %lt3A_243 = arith.constant 400 : i32
        %lt3A_244 = arith.cmpi slt, %add3A_242, %lt3A_243 : i32
        %convert_element_type3A_245 = arith.extui %lt3A_244 : i1 to i32
        %cond3A_246 = arith.constant 0 : i32
        %cond3A_247 = arith.cmpi ne, %convert_element_type3A_245, %cond3A_246 : i32
        scf.if %cond3A_247 {
          %jit3A = arith.constant 16 : i32
          %div3A = arith.divsi %add3A_112, %jit3A : i32
          %sign3A = arith.constant 0 : i32
          %sign3A_248 = arith.cmpi sgt, %add3A_112, %sign3A : i32
          %sign3A_249 = arith.extui %sign3A_248 : i1 to i32
          %sign3A_250 = arith.constant 0 : i32
          %sign3A_251 = arith.cmpi slt, %add3A_112, %sign3A_250 : i32
          %sign3A_252 = arith.extui %sign3A_251 : i1 to i32
          %sign3A_253 = arith.subi %sign3A_249, %sign3A_252 : i32
          %sign3A_254 = arith.constant 0 : i32
          %sign3A_255 = arith.cmpi sgt, %jit3A, %sign3A_254 : i32
          %sign3A_256 = arith.extui %sign3A_255 : i1 to i32
          %sign3A_257 = arith.constant 0 : i32
          %sign3A_258 = arith.cmpi slt, %jit3A, %sign3A_257 : i32
          %sign3A_259 = arith.extui %sign3A_258 : i1 to i32
          %sign3A_260 = arith.subi %sign3A_256, %sign3A_259 : i32
          %ne3A = arith.cmpi ne, %sign3A_253, %sign3A_260 : i32
          %rem3A_261 = arith.remsi %add3A_112, %jit3A : i32
          %ne3A_262 = arith.constant 0 : i32
          %ne3A_263 = arith.cmpi ne, %rem3A_261, %ne3A_262 : i32
          %and3A = arith.andi %ne3A, %ne3A_263 : i1
          %sub3A = arith.constant 1 : i32
          %sub3A_264 = arith.subi %div3A, %sub3A : i32
          %select_n3A = arith.select %and3A, %sub3A_264, %div3A : i32
          %add3A_265 = arith.constant 1 : i32
          %add3A_266 = arith.addi %select_n3A, %add3A_265 : i32
          %mul3A_267 = arith.constant 8 : i32
          %mul3A_268 = arith.muli %add3A_266, %mul3A_267 : i32
          %add3A_269 = arith.addi %mul3A_2, %mul3A_268 : i32
          %jit3A_270 = arith.constant 2 : i32
          %eq3A_271 = arith.constant 0 : i32
          %eq3A_272 = arith.cmpi eq, %jit3A_270, %eq3A_271 : i32
          %jit3A_273 = arith.constant 1 : i32
          %select_n3A_274 = arith.select %eq3A_272, %jit3A_273, %jit3A_270 : i32
          %rem3A_275 = arith.remsi %add3A_266, %select_n3A_274 : i32
          %ne3A_276 = arith.constant 0 : i32
          %ne3A_277 = arith.cmpi ne, %rem3A_275, %ne3A_276 : i32
          %lt3A_278 = arith.constant 0 : i32
          %lt3A_279 = arith.cmpi slt, %rem3A_275, %lt3A_278 : i32
          %lt3A_280 = arith.constant 0 : i32
          %lt3A_281 = arith.cmpi slt, %select_n3A_274, %lt3A_280 : i32
          %ne3A_282 = arith.xori %lt3A_279, %lt3A_281 : i1
          %and3A_283 = arith.andi %ne3A_282, %ne3A_277 : i1
          %add3A_284 = arith.addi %rem3A_275, %select_n3A_274 : i32
          %select_n3A_285 = arith.select %and3A_283, %add3A_284, %rem3A_275 : i32
          %dma_start3A_286 = arith.constant 0 : i32
          %dma_start3A_287 = arith.constant 0 : i32
          %dma_start3A_288 = tpu.memref_slice %arg7[%select_n3A_285, %dma_start3A_286, %dma_start3A_287] : memref<2x8x128xi32, #tpu.memory_space<vmem>> -> memref<1x8x128xi32, #tpu.memory_space<vmem>>
          %dma_start3A_289 = tpu.memref_squeeze %dma_start3A_288 : memref<1x8x128xi32, #tpu.memory_space<vmem>> -> memref<8x128xi32, #tpu.memory_space<vmem>>
          %dma_start3A_290 = arith.constant 0 : i32
          %dma_start3A_291 = tpu.memref_slice %arg2[%add3A_269, %dma_start3A_290] : memref<6400x128xi32, #tpu.memory_space<hbm>> -> memref<8x128xi32, #tpu.memory_space<hbm>>
          %dma_start3A_292 = arith.constant 0 : i32
          %dma_start3A_293 = arith.constant 0 : i32
          %dma_start3A_294 = tpu.memref_slice %arg7[%select_n3A_285, %dma_start3A_292, %dma_start3A_293] : memref<2x8x128xi32, #tpu.memory_space<vmem>> -> memref<1x8x128xi32, #tpu.memory_space<vmem>>
          %dma_start3A_295 = tpu.memref_squeeze %dma_start3A_294 : memref<1x8x128xi32, #tpu.memory_space<vmem>> -> memref<8x128xi32, #tpu.memory_space<vmem>>
          %dma_start3A_296 = arith.constant 0 : i32
          %dma_start3A_297 = tpu.memref_slice %arg2[%add3A_269, %dma_start3A_296] : memref<6400x128xi32, #tpu.memory_space<hbm>> -> memref<8x128xi32, #tpu.memory_space<hbm>>
          tpu.enqueue_dma source(%dma_start3A_297 : memref<8x128xi32, #tpu.memory_space<hbm>>) target(%dma_start3A_295 : memref<8x128xi32, #tpu.memory_space<vmem>>) target_semaphore(%arg12 : memref<!tpu.dma_semaphore, #tpu.memory_space<semaphore_mem>>)
        } else {
        }
      } else {
      }
      %add3A_167 = arith.constant 2 : i32
      %add3A_168 = arith.addi %add3A_112, %add3A_167 : i32
      %rem3A_169 = arith.constant 16 : i32
      %rem3A_170 = arith.remsi %add3A_168, %rem3A_169 : i32
      %eq3A_171 = arith.constant 0 : i32
      %eq3A_172 = arith.cmpi eq, %rem3A_170, %eq3A_171 : i32
      %convert_element_type3A_173 = arith.extui %eq3A_172 : i1 to i32
      %cond3A_174 = arith.constant 0 : i32
      %cond3A_175 = arith.cmpi ne, %convert_element_type3A_173, %cond3A_174 : i32
      scf.if %cond3A_175 {
        %add3A_241 = arith.constant 2 : i32
        %add3A_242 = arith.addi %add3A_112, %add3A_241 : i32
        %lt3A_243 = arith.constant 400 : i32
        %lt3A_244 = arith.cmpi slt, %add3A_242, %lt3A_243 : i32
        %convert_element_type3A_245 = arith.extui %lt3A_244 : i1 to i32
        %cond3A_246 = arith.constant 0 : i32
        %cond3A_247 = arith.cmpi ne, %convert_element_type3A_245, %cond3A_246 : i32
        scf.if %cond3A_247 {
          %dma_wait3A_248 = arith.constant 0 : i32
          %dma_wait3A_249 = arith.constant 0 : i32
          %dma_wait3A_250 = arith.constant 0 : i32
          %dma_wait3A_251 = tpu.memref_slice %arg7[%dma_wait3A_248, %dma_wait3A_249, %dma_wait3A_250] : memref<2x8x128xi32, #tpu.memory_space<vmem>> -> memref<1x8x128xi32, #tpu.memory_space<vmem>>
          %dma_wait3A_252 = tpu.memref_squeeze %dma_wait3A_251 : memref<1x8x128xi32, #tpu.memory_space<vmem>> -> memref<8x128xi32, #tpu.memory_space<vmem>>
          %dma_wait3A_253 = arith.constant 0 : i32
          %dma_wait3A_254 = arith.constant 0 : i32
          %dma_wait3A_255 = tpu.memref_slice %arg2[%dma_wait3A_253, %dma_wait3A_254] : memref<6400x128xi32, #tpu.memory_space<hbm>> -> memref<8x128xi32, #tpu.memory_space<hbm>>
          %dma_wait3A_256 = arith.constant 0 : i32
          %dma_wait3A_257 = arith.constant 0 : i32
          %dma_wait3A_258 = tpu.memref_slice %arg7[%dma_wait3A_248, %dma_wait3A_256, %dma_wait3A_257] : memref<2x8x128xi32, #tpu.memory_space<vmem>> -> memref<1x8x128xi32, #tpu.memory_space<vmem>>
          %dma_wait3A_259 = tpu.memref_squeeze %dma_wait3A_258 : memref<1x8x128xi32, #tpu.memory_space<vmem>> -> memref<8x128xi32, #tpu.memory_space<vmem>>
          %dma_wait3A_260 = arith.constant 0 : i32
          %dma_wait3A_261 = arith.constant 0 : i32
          %dma_wait3A_262 = tpu.memref_slice %arg2[%dma_wait3A_260, %dma_wait3A_261] : memref<6400x128xi32, #tpu.memory_space<hbm>> -> memref<8x128xi32, #tpu.memory_space<hbm>>
          tpu.wait_dma2 semaphore(%arg12 : memref<!tpu.dma_semaphore, #tpu.memory_space<semaphore_mem>>) src(%dma_wait3A_262 : memref<8x128xi32, #tpu.memory_space<hbm>>) dst(%dma_wait3A_259 : memref<8x128xi32, #tpu.memory_space<vmem>>)
        } else {
        }
      } else {
      }
      %lt3A = arith.constant 199 : i32
      %lt3A_176 = arith.cmpi slt, %scan3A_108, %lt3A : i32
      %convert_element_type3A_177 = arith.extui %lt3A_176 : i1 to i32
      %cond3A_178 = arith.constant 0 : i32
      %cond3A_179 = arith.cmpi ne, %convert_element_type3A_177, %cond3A_178 : i32
      scf.if %cond3A_179 {
        %add3A_241 = arith.constant 2 : i32
        %add3A_242 = arith.addi %add3A_112, %add3A_241 : i32
        %jit3A = arith.constant 2 : i32
        %div3A = arith.divsi %add3A_242, %jit3A : i32
        %sign3A = arith.constant 0 : i32
        %sign3A_243 = arith.cmpi sgt, %add3A_242, %sign3A : i32
        %sign3A_244 = arith.extui %sign3A_243 : i1 to i32
        %sign3A_245 = arith.constant 0 : i32
        %sign3A_246 = arith.cmpi slt, %add3A_242, %sign3A_245 : i32
        %sign3A_247 = arith.extui %sign3A_246 : i1 to i32
        %sign3A_248 = arith.subi %sign3A_244, %sign3A_247 : i32
        %sign3A_249 = arith.constant 0 : i32
        %sign3A_250 = arith.cmpi sgt, %jit3A, %sign3A_249 : i32
        %sign3A_251 = arith.extui %sign3A_250 : i1 to i32
        %sign3A_252 = arith.constant 0 : i32
        %sign3A_253 = arith.cmpi slt, %jit3A, %sign3A_252 : i32
        %sign3A_254 = arith.extui %sign3A_253 : i1 to i32
        %sign3A_255 = arith.subi %sign3A_251, %sign3A_254 : i32
        %ne3A = arith.cmpi ne, %sign3A_248, %sign3A_255 : i32
        %rem3A_256 = arith.remsi %add3A_242, %jit3A : i32
        %ne3A_257 = arith.constant 0 : i32
        %ne3A_258 = arith.cmpi ne, %rem3A_256, %ne3A_257 : i32
        %and3A = arith.andi %ne3A, %ne3A_258 : i1
        %sub3A = arith.constant 1 : i32
        %sub3A_259 = arith.subi %div3A, %sub3A : i32
        %select_n3A = arith.select %and3A, %sub3A_259, %div3A : i32
        %jit3A_260 = arith.constant 8 : i32
        %div3A_261 = arith.divsi %select_n3A, %jit3A_260 : i32
        %sign3A_262 = arith.constant 0 : i32
        %sign3A_263 = arith.cmpi sgt, %select_n3A, %sign3A_262 : i32
        %sign3A_264 = arith.extui %sign3A_263 : i1 to i32
        %sign3A_265 = arith.constant 0 : i32
        %sign3A_266 = arith.cmpi slt, %select_n3A, %sign3A_265 : i32
        %sign3A_267 = arith.extui %sign3A_266 : i1 to i32
        %sign3A_268 = arith.subi %sign3A_264, %sign3A_267 : i32
        %sign3A_269 = arith.constant 0 : i32
        %sign3A_270 = arith.cmpi sgt, %jit3A_260, %sign3A_269 : i32
        %sign3A_271 = arith.extui %sign3A_270 : i1 to i32
        %sign3A_272 = arith.constant 0 : i32
        %sign3A_273 = arith.cmpi slt, %jit3A_260, %sign3A_272 : i32
        %sign3A_274 = arith.extui %sign3A_273 : i1 to i32
        %sign3A_275 = arith.subi %sign3A_271, %sign3A_274 : i32
        %ne3A_276 = arith.cmpi ne, %sign3A_268, %sign3A_275 : i32
        %rem3A_277 = arith.remsi %select_n3A, %jit3A_260 : i32
        %ne3A_278 = arith.constant 0 : i32
        %ne3A_279 = arith.cmpi ne, %rem3A_277, %ne3A_278 : i32
        %and3A_280 = arith.andi %ne3A_276, %ne3A_279 : i1
        %sub3A_281 = arith.constant 1 : i32
        %sub3A_282 = arith.subi %div3A_261, %sub3A_281 : i32
        %select_n3A_283 = arith.select %and3A_280, %sub3A_282, %div3A_261 : i32
        %jit3A_284 = arith.constant 2 : i32
        %eq3A_285 = arith.constant 0 : i32
        %eq3A_286 = arith.cmpi eq, %jit3A_284, %eq3A_285 : i32
        %jit3A_287 = arith.constant 1 : i32
        %select_n3A_288 = arith.select %eq3A_286, %jit3A_287, %jit3A_284 : i32
        %rem3A_289 = arith.remsi %select_n3A_283, %select_n3A_288 : i32
        %ne3A_290 = arith.constant 0 : i32
        %ne3A_291 = arith.cmpi ne, %rem3A_289, %ne3A_290 : i32
        %lt3A_292 = arith.constant 0 : i32
        %lt3A_293 = arith.cmpi slt, %rem3A_289, %lt3A_292 : i32
        %lt3A_294 = arith.constant 0 : i32
        %lt3A_295 = arith.cmpi slt, %select_n3A_288, %lt3A_294 : i32
        %ne3A_296 = arith.xori %lt3A_293, %lt3A_295 : i1
        %and3A_297 = arith.andi %ne3A_296, %ne3A_291 : i1
        %add3A_298 = arith.addi %rem3A_289, %select_n3A_288 : i32
        %select_n3A_299 = arith.select %and3A_297, %add3A_298, %rem3A_289 : i32
        %jit3A_300 = arith.constant 8 : i32
        %eq3A_301 = arith.constant 0 : i32
        %eq3A_302 = arith.cmpi eq, %jit3A_300, %eq3A_301 : i32
        %jit3A_303 = arith.constant 1 : i32
        %select_n3A_304 = arith.select %eq3A_302, %jit3A_303, %jit3A_300 : i32
        %rem3A_305 = arith.remsi %select_n3A, %select_n3A_304 : i32
        %ne3A_306 = arith.constant 0 : i32
        %ne3A_307 = arith.cmpi ne, %rem3A_305, %ne3A_306 : i32
        %lt3A_308 = arith.constant 0 : i32
        %lt3A_309 = arith.cmpi slt, %rem3A_305, %lt3A_308 : i32
        %lt3A_310 = arith.constant 0 : i32
        %lt3A_311 = arith.cmpi slt, %select_n3A_304, %lt3A_310 : i32
        %ne3A_312 = arith.xori %lt3A_309, %lt3A_311 : i1
        %and3A_313 = arith.andi %ne3A_312, %ne3A_307 : i1
        %add3A_314 = arith.addi %rem3A_305, %select_n3A_304 : i32
        %select_n3A_315 = arith.select %and3A_313, %add3A_314, %rem3A_305 : i32
        %jit3A_316 = arith.constant 2 : i32
        %eq3A_317 = arith.constant 0 : i32
        %eq3A_318 = arith.cmpi eq, %jit3A_316, %eq3A_317 : i32
        %jit3A_319 = arith.constant 1 : i32
        %select_n3A_320 = arith.select %eq3A_318, %jit3A_319, %jit3A_316 : i32
        %rem3A_321 = arith.remsi %add3A_242, %select_n3A_320 : i32
        %ne3A_322 = arith.constant 0 : i32
        %ne3A_323 = arith.cmpi ne, %rem3A_321, %ne3A_322 : i32
        %lt3A_324 = arith.constant 0 : i32
        %lt3A_325 = arith.cmpi slt, %rem3A_321, %lt3A_324 : i32
        %lt3A_326 = arith.constant 0 : i32
        %lt3A_327 = arith.cmpi slt, %select_n3A_320, %lt3A_326 : i32
        %ne3A_328 = arith.xori %lt3A_325, %lt3A_327 : i1
        %and3A_329 = arith.andi %ne3A_328, %ne3A_323 : i1
        %add3A_330 = arith.addi %rem3A_321, %select_n3A_320 : i32
        %select_n3A_331 = arith.select %and3A_329, %add3A_330, %rem3A_321 : i32
        %mul3A_332 = arith.constant 64 : i32
        %mul3A_333 = arith.muli %select_n3A_331, %mul3A_332 : i32
        %add3A_334 = arith.constant 0 : i32
        %add3A_335 = arith.addi %mul3A_333, %add3A_334 : i32
        %dma_start3A_336 = arith.constant 0 : i32
        %dma_start3A_337 = arith.constant 0 : i32
        %dma_start3A_338 = arith.constant 0 : i32
        %dma_start3A_339 = arith.constant 0 : i32
        %dma_start3A_340 = tpu.memref_slice %arg8[%dma_start3A_336, %dma_start3A_338, %dma_start3A_339] : memref<2x64x128xf32, #tpu.memory_space<vmem>> -> memref<1x32x128xf32, #tpu.memory_space<vmem>>
        %dma_start3A_341 = tpu.memref_squeeze %dma_start3A_340 : memref<1x32x128xf32, #tpu.memory_space<vmem>> -> memref<32x128xf32, #tpu.memory_space<vmem>>
        %dma_start3A_342 = tpu.memref_slice %arg7[%select_n3A_299, %select_n3A_315, %add3A_335] : memref<2x8x128xi32, #tpu.memory_space<vmem>> -> memref<1x1x32xi32, #tpu.memory_space<vmem>>
        %dma_start3A_343 = tpu.memref_squeeze %dma_start3A_342 : memref<1x1x32xi32, #tpu.memory_space<vmem>> -> memref<32xi32, #tpu.memory_space<vmem>>
        %dma_start3A_344 = arith.constant 0 : i32
        %dma_start3A_345 = arith.constant 0 : i32
        %dma_start3A_346 = tpu.memref_slice %arg3[%dma_start3A_344, %dma_start3A_345] : memref<100000x128xf32, #tpu.memory_space<hbm>> -> memref<100000x128xf32, #tpu.memory_space<hbm>>
        %dma_start3A_347 = tpu.memref_slice %arg10[%dma_start3A_337] : memref<2x!tpu.dma_semaphore, #tpu.memory_space<semaphore_mem>> -> memref<1x!tpu.dma_semaphore, #tpu.memory_space<semaphore_mem>>
        %dma_start3A_348 = tpu.memref_squeeze %dma_start3A_347 : memref<1x!tpu.dma_semaphore, #tpu.memory_space<semaphore_mem>> -> memref<!tpu.dma_semaphore, #tpu.memory_space<semaphore_mem>>
        tpu.enqueue_indirect_dma source(%dma_start3A_346 : memref<100000x128xf32, #tpu.memory_space<hbm>>) target(%dma_start3A_341 : memref<32x128xf32, #tpu.memory_space<vmem>>) offsets(%dma_start3A_343 : memref<32xi32, #tpu.memory_space<vmem>>) semaphore(%dma_start3A_348 : memref<!tpu.dma_semaphore, #tpu.memory_space<semaphore_mem>>)
        %add3A_349 = arith.constant 32 : i32
        %add3A_350 = arith.addi %mul3A_333, %add3A_349 : i32
        %dma_start3A_351 = arith.constant 0 : i32
        %dma_start3A_352 = arith.constant 0 : i32
        %dma_start3A_353 = arith.constant 32 : i32
        %dma_start3A_354 = arith.constant 0 : i32
        %dma_start3A_355 = tpu.memref_slice %arg8[%dma_start3A_351, %dma_start3A_353, %dma_start3A_354] : memref<2x64x128xf32, #tpu.memory_space<vmem>> -> memref<1x32x128xf32, #tpu.memory_space<vmem>>
        %dma_start3A_356 = tpu.memref_squeeze %dma_start3A_355 : memref<1x32x128xf32, #tpu.memory_space<vmem>> -> memref<32x128xf32, #tpu.memory_space<vmem>>
        %dma_start3A_357 = tpu.memref_slice %arg7[%select_n3A_299, %select_n3A_315, %add3A_350] : memref<2x8x128xi32, #tpu.memory_space<vmem>> -> memref<1x1x32xi32, #tpu.memory_space<vmem>>
        %dma_start3A_358 = tpu.memref_squeeze %dma_start3A_357 : memref<1x1x32xi32, #tpu.memory_space<vmem>> -> memref<32xi32, #tpu.memory_space<vmem>>
        %dma_start3A_359 = arith.constant 0 : i32
        %dma_start3A_360 = arith.constant 0 : i32
        %dma_start3A_361 = tpu.memref_slice %arg3[%dma_start3A_359, %dma_start3A_360] : memref<100000x128xf32, #tpu.memory_space<hbm>> -> memref<100000x128xf32, #tpu.memory_space<hbm>>
        %dma_start3A_362 = tpu.memref_slice %arg10[%dma_start3A_352] : memref<2x!tpu.dma_semaphore, #tpu.memory_space<semaphore_mem>> -> memref<1x!tpu.dma_semaphore, #tpu.memory_space<semaphore_mem>>
        %dma_start3A_363 = tpu.memref_squeeze %dma_start3A_362 : memref<1x!tpu.dma_semaphore, #tpu.memory_space<semaphore_mem>> -> memref<!tpu.dma_semaphore, #tpu.memory_space<semaphore_mem>>
        tpu.enqueue_indirect_dma source(%dma_start3A_361 : memref<100000x128xf32, #tpu.memory_space<hbm>>) target(%dma_start3A_356 : memref<32x128xf32, #tpu.memory_space<vmem>>) offsets(%dma_start3A_358 : memref<32xi32, #tpu.memory_space<vmem>>) semaphore(%dma_start3A_363 : memref<!tpu.dma_semaphore, #tpu.memory_space<semaphore_mem>>)
      } else {
      }
      %mul3A_180 = arith.constant 2 : i32
      %mul3A_181 = arith.muli %scan3A_108, %mul3A_180 : i32
      %add3A_182 = arith.constant 1 : i32
      %add3A_183 = arith.addi %mul3A_181, %add3A_182 : i32
      %dma_wait3A_184 = arith.constant 1 : i32
      %dma_wait3A_185 = arith.constant 1 : i32
      %dma_wait3A_186 = arith.constant 0 : i32
      %dma_wait3A_187 = arith.constant 0 : i32
      %dma_wait3A_188 = tpu.memref_slice %arg8[%dma_wait3A_184, %dma_wait3A_186, %dma_wait3A_187] : memref<2x64x128xf32, #tpu.memory_space<vmem>> -> memref<1x64x128xf32, #tpu.memory_space<vmem>>
      %dma_wait3A_189 = tpu.memref_squeeze %dma_wait3A_188 : memref<1x64x128xf32, #tpu.memory_space<vmem>> -> memref<64x128xf32, #tpu.memory_space<vmem>>
      %dma_wait3A_190 = arith.constant 0 : i32
      %dma_wait3A_191 = arith.constant 0 : i32
      %dma_wait3A_192 = tpu.memref_slice %arg3[%dma_wait3A_190, %dma_wait3A_191] : memref<100000x128xf32, #tpu.memory_space<hbm>> -> memref<64x128xf32, #tpu.memory_space<hbm>>
      %dma_wait3A_193 = tpu.memref_slice %arg10[%dma_wait3A_185] : memref<2x!tpu.dma_semaphore, #tpu.memory_space<semaphore_mem>> -> memref<1x!tpu.dma_semaphore, #tpu.memory_space<semaphore_mem>>
      %dma_wait3A_194 = tpu.memref_squeeze %dma_wait3A_193 : memref<1x!tpu.dma_semaphore, #tpu.memory_space<semaphore_mem>> -> memref<!tpu.dma_semaphore, #tpu.memory_space<semaphore_mem>>
      %dma_wait3A_195 = arith.constant 0 : i32
      %dma_wait3A_196 = arith.constant 0 : i32
      %dma_wait3A_197 = tpu.memref_slice %arg8[%dma_wait3A_184, %dma_wait3A_195, %dma_wait3A_196] : memref<2x64x128xf32, #tpu.memory_space<vmem>> -> memref<1x64x128xf32, #tpu.memory_space<vmem>>
      %dma_wait3A_198 = tpu.memref_squeeze %dma_wait3A_197 : memref<1x64x128xf32, #tpu.memory_space<vmem>> -> memref<64x128xf32, #tpu.memory_space<vmem>>
      %dma_wait3A_199 = arith.constant 0 : i32
      %dma_wait3A_200 = arith.constant 0 : i32
      %dma_wait3A_201 = tpu.memref_slice %arg3[%dma_wait3A_199, %dma_wait3A_200] : memref<100000x128xf32, #tpu.memory_space<hbm>> -> memref<64x128xf32, #tpu.memory_space<hbm>>
      tpu.wait_dma2 semaphore(%dma_wait3A_194 : memref<!tpu.dma_semaphore, #tpu.memory_space<semaphore_mem>>) src(%dma_wait3A_201 : memref<64x128xf32, #tpu.memory_space<hbm>>) dst(%dma_wait3A_198 : memref<64x128xf32, #tpu.memory_space<vmem>>)
      %gt3A_202 = arith.constant 0 : i32
      %gt3A_203 = arith.cmpi sgt, %scan3A_108, %gt3A_202 : i32
      %convert_element_type3A_204 = arith.extui %gt3A_203 : i1 to i32
      %cond3A_205 = arith.constant 0 : i32
      %cond3A_206 = arith.cmpi ne, %convert_element_type3A_204, %cond3A_205 : i32
      scf.if %cond3A_206 {
        %dma_wait3A_241 = arith.constant 1 : i32
        %dma_wait3A_242 = arith.constant 1 : i32
        %dma_wait3A_243 = arith.constant 0 : i32
        %dma_wait3A_244 = arith.constant 0 : i32
        %dma_wait3A_245 = tpu.memref_slice %arg9[%dma_wait3A_241, %dma_wait3A_243, %dma_wait3A_244] : memref<2x64x64xf32, #tpu.memory_space<vmem>> -> memref<1x64x64xf32, #tpu.memory_space<vmem>>
        %dma_wait3A_246 = tpu.memref_squeeze %dma_wait3A_245 : memref<1x64x64xf32, #tpu.memory_space<vmem>> -> memref<64x64xf32, #tpu.memory_space<vmem>>
        %dma_wait3A_247 = arith.constant 0 : i32
        %dma_wait3A_248 = arith.constant 0 : i32
        %dma_wait3A_249 = tpu.memref_slice %arg5[%dma_wait3A_247, %dma_wait3A_248] : memref<819200x64xf32, #tpu.memory_space<hbm>> -> memref<64x64xf32, #tpu.memory_space<hbm>>
        %dma_wait3A_250 = tpu.memref_slice %arg11[%dma_wait3A_242] : memref<2x!tpu.dma_semaphore, #tpu.memory_space<semaphore_mem>> -> memref<1x!tpu.dma_semaphore, #tpu.memory_space<semaphore_mem>>
        %dma_wait3A_251 = tpu.memref_squeeze %dma_wait3A_250 : memref<1x!tpu.dma_semaphore, #tpu.memory_space<semaphore_mem>> -> memref<!tpu.dma_semaphore, #tpu.memory_space<semaphore_mem>>
        %dma_wait3A_252 = arith.constant 0 : i32
        %dma_wait3A_253 = arith.constant 0 : i32
        %dma_wait3A_254 = tpu.memref_slice %arg5[%dma_wait3A_252, %dma_wait3A_253] : memref<819200x64xf32, #tpu.memory_space<hbm>> -> memref<64x64xf32, #tpu.memory_space<hbm>>
        %dma_wait3A_255 = arith.constant 0 : i32
        %dma_wait3A_256 = arith.constant 0 : i32
        %dma_wait3A_257 = tpu.memref_slice %arg9[%dma_wait3A_241, %dma_wait3A_255, %dma_wait3A_256] : memref<2x64x64xf32, #tpu.memory_space<vmem>> -> memref<1x64x64xf32, #tpu.memory_space<vmem>>
        %dma_wait3A_258 = tpu.memref_squeeze %dma_wait3A_257 : memref<1x64x64xf32, #tpu.memory_space<vmem>> -> memref<64x64xf32, #tpu.memory_space<vmem>>
        tpu.wait_dma2 semaphore(%dma_wait3A_251 : memref<!tpu.dma_semaphore, #tpu.memory_space<semaphore_mem>>) src(%dma_wait3A_258 : memref<64x64xf32, #tpu.memory_space<vmem>>) dst(%dma_wait3A_254 : memref<64x64xf32, #tpu.memory_space<hbm>>)
      } else {
      }
      %mul3A_207 = arith.constant 32 : i32
      %mul3A_208 = arith.muli %add3A_183, %mul3A_207 : i32
      %rem3A_209 = arith.constant 100 : i32
      %rem3A_210 = arith.remsi %mul3A_208, %rem3A_209 : i32
      %scan3A_211 = arith.constant 0 : i32
      %scan3A_212 = arith.constant 0 : i32
      %scan3A_213 = arith.constant 16 : i32
      %scan3A_214 = arith.addi %scan3A_212, %scan3A_213 : i32
      %scan3A_215 = arith.constant 1 : i32
      scf.for %scan3A_241 = %scan3A_212 to %scan3A_214 step %scan3A_215  : i32 {
        %mul3A_242 = arith.constant 2 : i32
        %mul3A_243 = arith.muli %mul3A_242, %scan3A_241 : i32
        %add3A_244 = arith.constant 0 : i32
        %add3A_245 = arith.addi %mul3A_243, %add3A_244 : i32
        %mul3A_246 = arith.constant 2 : i32
        %mul3A_247 = arith.muli %mul3A_246, %add3A_245 : i32
        %add3A_248 = arith.constant 0 : i32
        %add3A_249 = arith.addi %mul3A_247, %add3A_248 : i32
        %get3A = arith.constant 1 : i32
        %get3A_250 = arith.index_cast %get3A : i32 to index
        %get3A_251 = arith.index_cast %add3A_249 : i32 to index
        %get3A_252 = arith.constant 0 : index
        %get3A_253 = tpu.vector_load %arg8[%get3A_250, %get3A_251, %get3A_252] {strides = array<i32>} : memref<2x64x128xf32, #tpu.memory_space<vmem>>, vector<1x1x16xf32>,
        %get3A_254 = vector.shape_cast %get3A_253 : vector<1x1x16xf32> to vector<16xf32>
        %add3A_255 = arith.constant 0 : i32
        %add3A_256 = arith.addi %mul3A_243, %add3A_255 : i32
        %mul3A_257 = arith.constant 2 : i32
        %mul3A_258 = arith.muli %mul3A_257, %add3A_256 : i32
        %add3A_259 = arith.constant 0 : i32
        %add3A_260 = arith.addi %mul3A_258, %add3A_259 : i32
        %get3A_261 = arith.constant 1 : i32
        %get3A_262 = arith.index_cast %get3A_261 : i32 to index
        %get3A_263 = arith.index_cast %add3A_260 : i32 to index
        %get3A_264 = arith.constant 16 : index
        %get3A_265 = tpu.vector_load %arg8[%get3A_262, %get3A_263, %get3A_264] {strides = array<i32>} : memref<2x64x128xf32, #tpu.memory_space<vmem>>, vector<1x1x16xf32>,
        %get3A_266 = vector.shape_cast %get3A_265 : vector<1x1x16xf32> to vector<16xf32>
        %add3A_267 = arith.constant 0 : i32
        %add3A_268 = arith.addi %mul3A_243, %add3A_267 : i32
        %mul3A_269 = arith.constant 2 : i32
        %mul3A_270 = arith.muli %mul3A_269, %add3A_268 : i32
        %add3A_271 = arith.constant 0 : i32
        %add3A_272 = arith.addi %mul3A_270, %add3A_271 : i32
        %get3A_273 = arith.constant 1 : i32
        %get3A_274 = arith.index_cast %get3A_273 : i32 to index
        %get3A_275 = arith.index_cast %add3A_272 : i32 to index
        %get3A_276 = arith.constant 32 : index
        %get3A_277 = tpu.vector_load %arg8[%get3A_274, %get3A_275, %get3A_276] {strides = array<i32>} : memref<2x64x128xf32, #tpu.memory_space<vmem>>, vector<1x1x16xf32>,
        %get3A_278 = vector.shape_cast %get3A_277 : vector<1x1x16xf32> to vector<16xf32>
        %add3A_279 = arith.constant 0 : i32
        %add3A_280 = arith.addi %mul3A_243, %add3A_279 : i32
        %mul3A_281 = arith.constant 2 : i32
        %mul3A_282 = arith.muli %mul3A_281, %add3A_280 : i32
        %add3A_283 = arith.constant 0 : i32
        %add3A_284 = arith.addi %mul3A_282, %add3A_283 : i32
        %get3A_285 = arith.constant 1 : i32
        %get3A_286 = arith.index_cast %get3A_285 : i32 to index
        %get3A_287 = arith.index_cast %add3A_284 : i32 to index
        %get3A_288 = arith.constant 48 : index
        %get3A_289 = tpu.vector_load %arg8[%get3A_286, %get3A_287, %get3A_288] {strides = array<i32>} : memref<2x64x128xf32, #tpu.memory_space<vmem>>, vector<1x1x16xf32>,
        %get3A_290 = vector.shape_cast %get3A_289 : vector<1x1x16xf32> to vector<16xf32>
        %add3A_291 = arith.constant 0 : i32
        %add3A_292 = arith.addi %mul3A_243, %add3A_291 : i32
        %mul3A_293 = arith.constant 2 : i32
        %mul3A_294 = arith.muli %mul3A_293, %add3A_292 : i32
        %add3A_295 = arith.constant 1 : i32
        %add3A_296 = arith.addi %mul3A_294, %add3A_295 : i32
        %get3A_297 = arith.constant 1 : i32
        %get3A_298 = arith.index_cast %get3A_297 : i32 to index
        %get3A_299 = arith.index_cast %add3A_296 : i32 to index
        %get3A_300 = arith.constant 0 : index
        %get3A_301 = tpu.vector_load %arg8[%get3A_298, %get3A_299, %get3A_300] {strides = array<i32>} : memref<2x64x128xf32, #tpu.memory_space<vmem>>, vector<1x1x16xf32>,
        %get3A_302 = vector.shape_cast %get3A_301 : vector<1x1x16xf32> to vector<16xf32>
        %add3A_303 = arith.constant 0 : i32
        %add3A_304 = arith.addi %mul3A_243, %add3A_303 : i32
        %mul3A_305 = arith.constant 2 : i32
        %mul3A_306 = arith.muli %mul3A_305, %add3A_304 : i32
        %add3A_307 = arith.constant 1 : i32
        %add3A_308 = arith.addi %mul3A_306, %add3A_307 : i32
        %get3A_309 = arith.constant 1 : i32
        %get3A_310 = arith.index_cast %get3A_309 : i32 to index
        %get3A_311 = arith.index_cast %add3A_308 : i32 to index
        %get3A_312 = arith.constant 16 : index
        %get3A_313 = tpu.vector_load %arg8[%get3A_310, %get3A_311, %get3A_312] {strides = array<i32>} : memref<2x64x128xf32, #tpu.memory_space<vmem>>, vector<1x1x16xf32>,
        %get3A_314 = vector.shape_cast %get3A_313 : vector<1x1x16xf32> to vector<16xf32>
        %add3A_315 = arith.constant 0 : i32
        %add3A_316 = arith.addi %mul3A_243, %add3A_315 : i32
        %mul3A_317 = arith.constant 2 : i32
        %mul3A_318 = arith.muli %mul3A_317, %add3A_316 : i32
        %add3A_319 = arith.constant 1 : i32
        %add3A_320 = arith.addi %mul3A_318, %add3A_319 : i32
        %get3A_321 = arith.constant 1 : i32
        %get3A_322 = arith.index_cast %get3A_321 : i32 to index
        %get3A_323 = arith.index_cast %add3A_320 : i32 to index
        %get3A_324 = arith.constant 32 : index
        %get3A_325 = tpu.vector_load %arg8[%get3A_322, %get3A_323, %get3A_324] {strides = array<i32>} : memref<2x64x128xf32, #tpu.memory_space<vmem>>, vector<1x1x16xf32>,
        %get3A_326 = vector.shape_cast %get3A_325 : vector<1x1x16xf32> to vector<16xf32>
        %add3A_327 = arith.constant 0 : i32
        %add3A_328 = arith.addi %mul3A_243, %add3A_327 : i32
        %mul3A_329 = arith.constant 2 : i32
        %mul3A_330 = arith.muli %mul3A_329, %add3A_328 : i32
        %add3A_331 = arith.constant 1 : i32
        %add3A_332 = arith.addi %mul3A_330, %add3A_331 : i32
        %get3A_333 = arith.constant 1 : i32
        %get3A_334 = arith.index_cast %get3A_333 : i32 to index
        %get3A_335 = arith.index_cast %add3A_332 : i32 to index
        %get3A_336 = arith.constant 48 : index
        %get3A_337 = tpu.vector_load %arg8[%get3A_334, %get3A_335, %get3A_336] {strides = array<i32>} : memref<2x64x128xf32, #tpu.memory_space<vmem>>, vector<1x1x16xf32>,
        %get3A_338 = vector.shape_cast %get3A_337 : vector<1x1x16xf32> to vector<16xf32>
        %add3A_339 = arith.constant 1 : i32
        %add3A_340 = arith.addi %mul3A_243, %add3A_339 : i32
        %mul3A_341 = arith.constant 2 : i32
        %mul3A_342 = arith.muli %mul3A_341, %add3A_340 : i32
        %add3A_343 = arith.constant 0 : i32
        %add3A_344 = arith.addi %mul3A_342, %add3A_343 : i32
        %get3A_345 = arith.constant 1 : i32
        %get3A_346 = arith.index_cast %get3A_345 : i32 to index
        %get3A_347 = arith.index_cast %add3A_344 : i32 to index
        %get3A_348 = arith.constant 0 : index
        %get3A_349 = tpu.vector_load %arg8[%get3A_346, %get3A_347, %get3A_348] {strides = array<i32>} : memref<2x64x128xf32, #tpu.memory_space<vmem>>, vector<1x1x16xf32>,
        %get3A_350 = vector.shape_cast %get3A_349 : vector<1x1x16xf32> to vector<16xf32>
        %add3A_351 = arith.constant 1 : i32
        %add3A_352 = arith.addi %mul3A_243, %add3A_351 : i32
        %mul3A_353 = arith.constant 2 : i32
        %mul3A_354 = arith.muli %mul3A_353, %add3A_352 : i32
        %add3A_355 = arith.constant 0 : i32
        %add3A_356 = arith.addi %mul3A_354, %add3A_355 : i32
        %get3A_357 = arith.constant 1 : i32
        %get3A_358 = arith.index_cast %get3A_357 : i32 to index
        %get3A_359 = arith.index_cast %add3A_356 : i32 to index
        %get3A_360 = arith.constant 16 : index
        %get3A_361 = tpu.vector_load %arg8[%get3A_358, %get3A_359, %get3A_360] {strides = array<i32>} : memref<2x64x128xf32, #tpu.memory_space<vmem>>, vector<1x1x16xf32>,
        %get3A_362 = vector.shape_cast %get3A_361 : vector<1x1x16xf32> to vector<16xf32>
        %add3A_363 = arith.constant 1 : i32
        %add3A_364 = arith.addi %mul3A_243, %add3A_363 : i32
        %mul3A_365 = arith.constant 2 : i32
        %mul3A_366 = arith.muli %mul3A_365, %add3A_364 : i32
        %add3A_367 = arith.constant 0 : i32
        %add3A_368 = arith.addi %mul3A_366, %add3A_367 : i32
        %get3A_369 = arith.constant 1 : i32
        %get3A_370 = arith.index_cast %get3A_369 : i32 to index
        %get3A_371 = arith.index_cast %add3A_368 : i32 to index
        %get3A_372 = arith.constant 32 : index
        %get3A_373 = tpu.vector_load %arg8[%get3A_370, %get3A_371, %get3A_372] {strides = array<i32>} : memref<2x64x128xf32, #tpu.memory_space<vmem>>, vector<1x1x16xf32>,
        %get3A_374 = vector.shape_cast %get3A_373 : vector<1x1x16xf32> to vector<16xf32>
        %add3A_375 = arith.constant 1 : i32
        %add3A_376 = arith.addi %mul3A_243, %add3A_375 : i32
        %mul3A_377 = arith.constant 2 : i32
        %mul3A_378 = arith.muli %mul3A_377, %add3A_376 : i32
        %add3A_379 = arith.constant 0 : i32
        %add3A_380 = arith.addi %mul3A_378, %add3A_379 : i32
        %get3A_381 = arith.constant 1 : i32
        %get3A_382 = arith.index_cast %get3A_381 : i32 to index
        %get3A_383 = arith.index_cast %add3A_380 : i32 to index
        %get3A_384 = arith.constant 48 : index
        %get3A_385 = tpu.vector_load %arg8[%get3A_382, %get3A_383, %get3A_384] {strides = array<i32>} : memref<2x64x128xf32, #tpu.memory_space<vmem>>, vector<1x1x16xf32>,
        %get3A_386 = vector.shape_cast %get3A_385 : vector<1x1x16xf32> to vector<16xf32>
        %add3A_387 = arith.constant 1 : i32
        %add3A_388 = arith.addi %mul3A_243, %add3A_387 : i32
        %mul3A_389 = arith.constant 2 : i32
        %mul3A_390 = arith.muli %mul3A_389, %add3A_388 : i32
        %add3A_391 = arith.constant 1 : i32
        %add3A_392 = arith.addi %mul3A_390, %add3A_391 : i32
        %get3A_393 = arith.constant 1 : i32
        %get3A_394 = arith.index_cast %get3A_393 : i32 to index
        %get3A_395 = arith.index_cast %add3A_392 : i32 to index
        %get3A_396 = arith.constant 0 : index
        %get3A_397 = tpu.vector_load %arg8[%get3A_394, %get3A_395, %get3A_396] {strides = array<i32>} : memref<2x64x128xf32, #tpu.memory_space<vmem>>, vector<1x1x16xf32>,
        %get3A_398 = vector.shape_cast %get3A_397 : vector<1x1x16xf32> to vector<16xf32>
        %add3A_399 = arith.constant 1 : i32
        %add3A_400 = arith.addi %mul3A_243, %add3A_399 : i32
        %mul3A_401 = arith.constant 2 : i32
        %mul3A_402 = arith.muli %mul3A_401, %add3A_400 : i32
        %add3A_403 = arith.constant 1 : i32
        %add3A_404 = arith.addi %mul3A_402, %add3A_403 : i32
        %get3A_405 = arith.constant 1 : i32
        %get3A_406 = arith.index_cast %get3A_405 : i32 to index
        %get3A_407 = arith.index_cast %add3A_404 : i32 to index
        %get3A_408 = arith.constant 16 : index
        %get3A_409 = tpu.vector_load %arg8[%get3A_406, %get3A_407, %get3A_408] {strides = array<i32>} : memref<2x64x128xf32, #tpu.memory_space<vmem>>, vector<1x1x16xf32>,
        %get3A_410 = vector.shape_cast %get3A_409 : vector<1x1x16xf32> to vector<16xf32>
        %add3A_411 = arith.constant 1 : i32
        %add3A_412 = arith.addi %mul3A_243, %add3A_411 : i32
        %mul3A_413 = arith.constant 2 : i32
        %mul3A_414 = arith.muli %mul3A_413, %add3A_412 : i32
        %add3A_415 = arith.constant 1 : i32
        %add3A_416 = arith.addi %mul3A_414, %add3A_415 : i32
        %get3A_417 = arith.constant 1 : i32
        %get3A_418 = arith.index_cast %get3A_417 : i32 to index
        %get3A_419 = arith.index_cast %add3A_416 : i32 to index
        %get3A_420 = arith.constant 32 : index
        %get3A_421 = tpu.vector_load %arg8[%get3A_418, %get3A_419, %get3A_420] {strides = array<i32>} : memref<2x64x128xf32, #tpu.memory_space<vmem>>, vector<1x1x16xf32>,
        %get3A_422 = vector.shape_cast %get3A_421 : vector<1x1x16xf32> to vector<16xf32>
        %add3A_423 = arith.constant 1 : i32
        %add3A_424 = arith.addi %mul3A_243, %add3A_423 : i32
        %mul3A_425 = arith.constant 2 : i32
        %mul3A_426 = arith.muli %mul3A_425, %add3A_424 : i32
        %add3A_427 = arith.constant 1 : i32
        %add3A_428 = arith.addi %mul3A_426, %add3A_427 : i32
        %get3A_429 = arith.constant 1 : i32
        %get3A_430 = arith.index_cast %get3A_429 : i32 to index
        %get3A_431 = arith.index_cast %add3A_428 : i32 to index
        %get3A_432 = arith.constant 48 : index
        %get3A_433 = tpu.vector_load %arg8[%get3A_430, %get3A_431, %get3A_432] {strides = array<i32>} : memref<2x64x128xf32, #tpu.memory_space<vmem>>, vector<1x1x16xf32>,
        %get3A_434 = vector.shape_cast %get3A_433 : vector<1x1x16xf32> to vector<16xf32>
        %add3A_435 = arith.addi %rem3A_210, %mul3A_243 : i32
        %add3A_436 = arith.constant 0 : i32
        %add3A_437 = arith.addi %add3A_435, %add3A_436 : i32
        %get3A_438 = arith.index_cast %add3A_437 : i32 to index
        %get3A_439 = arith.constant 0 : index
        %get3A_440 = tpu.vector_load %arg6[%get3A_438, %get3A_439] {strides = array<i32>} : memref<200x128xf32, #tpu.memory_space<vmem>>, vector<1x16xf32>,
        %get3A_441 = vector.shape_cast %get3A_440 : vector<1x16xf32> to vector<16xf32>
        %add3A_442 = arith.addi %rem3A_210, %mul3A_243 : i32
        %add3A_443 = arith.constant 0 : i32
        %add3A_444 = arith.addi %add3A_442, %add3A_443 : i32
        %get3A_445 = arith.index_cast %add3A_444 : i32 to index
        %get3A_446 = arith.constant 16 : index
        %get3A_447 = tpu.vector_load %arg6[%get3A_445, %get3A_446] {strides = array<i32>} : memref<200x128xf32, #tpu.memory_space<vmem>>, vector<1x16xf32>,
        %get3A_448 = vector.shape_cast %get3A_447 : vector<1x16xf32> to vector<16xf32>
        %add3A_449 = arith.addi %rem3A_210, %mul3A_243 : i32
        %add3A_450 = arith.constant 0 : i32
        %add3A_451 = arith.addi %add3A_449, %add3A_450 : i32
        %get3A_452 = arith.index_cast %add3A_451 : i32 to index
        %get3A_453 = arith.constant 32 : index
        %get3A_454 = tpu.vector_load %arg6[%get3A_452, %get3A_453] {strides = array<i32>} : memref<200x128xf32, #tpu.memory_space<vmem>>, vector<1x16xf32>,
        %get3A_455 = vector.shape_cast %get3A_454 : vector<1x16xf32> to vector<16xf32>
        %add3A_456 = arith.addi %rem3A_210, %mul3A_243 : i32
        %add3A_457 = arith.constant 0 : i32
        %add3A_458 = arith.addi %add3A_456, %add3A_457 : i32
        %get3A_459 = arith.index_cast %add3A_458 : i32 to index
        %get3A_460 = arith.constant 48 : index
        %get3A_461 = tpu.vector_load %arg6[%get3A_459, %get3A_460] {strides = array<i32>} : memref<200x128xf32, #tpu.memory_space<vmem>>, vector<1x16xf32>,
        %get3A_462 = vector.shape_cast %get3A_461 : vector<1x16xf32> to vector<16xf32>
        %add3A_463 = arith.addi %rem3A_210, %mul3A_243 : i32
        %add3A_464 = arith.constant 0 : i32
        %add3A_465 = arith.addi %add3A_463, %add3A_464 : i32
        %get3A_466 = arith.index_cast %add3A_465 : i32 to index
        %get3A_467 = arith.constant 64 : index
        %get3A_468 = tpu.vector_load %arg6[%get3A_466, %get3A_467] {strides = array<i32>} : memref<200x128xf32, #tpu.memory_space<vmem>>, vector<1x16xf32>,
        %get3A_469 = vector.shape_cast %get3A_468 : vector<1x16xf32> to vector<16xf32>
        %add3A_470 = arith.addi %rem3A_210, %mul3A_243 : i32
        %add3A_471 = arith.constant 0 : i32
        %add3A_472 = arith.addi %add3A_470, %add3A_471 : i32
        %get3A_473 = arith.index_cast %add3A_472 : i32 to index
        %get3A_474 = arith.constant 80 : index
        %get3A_475 = tpu.vector_load %arg6[%get3A_473, %get3A_474] {strides = array<i32>} : memref<200x128xf32, #tpu.memory_space<vmem>>, vector<1x16xf32>,
        %get3A_476 = vector.shape_cast %get3A_475 : vector<1x16xf32> to vector<16xf32>
        %add3A_477 = arith.addi %rem3A_210, %mul3A_243 : i32
        %add3A_478 = arith.constant 0 : i32
        %add3A_479 = arith.addi %add3A_477, %add3A_478 : i32
        %get3A_480 = arith.index_cast %add3A_479 : i32 to index
        %get3A_481 = arith.constant 96 : index
        %get3A_482 = tpu.vector_load %arg6[%get3A_480, %get3A_481] {strides = array<i32>} : memref<200x128xf32, #tpu.memory_space<vmem>>, vector<1x16xf32>,
        %get3A_483 = vector.shape_cast %get3A_482 : vector<1x16xf32> to vector<16xf32>
        %add3A_484 = arith.addi %rem3A_210, %mul3A_243 : i32
        %add3A_485 = arith.constant 0 : i32
        %add3A_486 = arith.addi %add3A_484, %add3A_485 : i32
        %get3A_487 = arith.index_cast %add3A_486 : i32 to index
        %get3A_488 = arith.constant 112 : index
        %get3A_489 = tpu.vector_load %arg6[%get3A_487, %get3A_488] {strides = array<i32>} : memref<200x128xf32, #tpu.memory_space<vmem>>, vector<1x16xf32>,
        %get3A_490 = vector.shape_cast %get3A_489 : vector<1x16xf32> to vector<16xf32>
        %add3A_491 = arith.addi %rem3A_210, %mul3A_243 : i32
        %add3A_492 = arith.constant 1 : i32
        %add3A_493 = arith.addi %add3A_491, %add3A_492 : i32
        %get3A_494 = arith.index_cast %add3A_493 : i32 to index
        %get3A_495 = arith.constant 0 : index
        %get3A_496 = tpu.vector_load %arg6[%get3A_494, %get3A_495] {strides = array<i32>} : memref<200x128xf32, #tpu.memory_space<vmem>>, vector<1x16xf32>,
        %get3A_497 = vector.shape_cast %get3A_496 : vector<1x16xf32> to vector<16xf32>
        %add3A_498 = arith.addi %rem3A_210, %mul3A_243 : i32
        %add3A_499 = arith.constant 1 : i32
        %add3A_500 = arith.addi %add3A_498, %add3A_499 : i32
        %get3A_501 = arith.index_cast %add3A_500 : i32 to index
        %get3A_502 = arith.constant 16 : index
        %get3A_503 = tpu.vector_load %arg6[%get3A_501, %get3A_502] {strides = array<i32>} : memref<200x128xf32, #tpu.memory_space<vmem>>, vector<1x16xf32>,
        %get3A_504 = vector.shape_cast %get3A_503 : vector<1x16xf32> to vector<16xf32>
        %add3A_505 = arith.addi %rem3A_210, %mul3A_243 : i32
        %add3A_506 = arith.constant 1 : i32
        %add3A_507 = arith.addi %add3A_505, %add3A_506 : i32
        %get3A_508 = arith.index_cast %add3A_507 : i32 to index
        %get3A_509 = arith.constant 32 : index
        %get3A_510 = tpu.vector_load %arg6[%get3A_508, %get3A_509] {strides = array<i32>} : memref<200x128xf32, #tpu.memory_space<vmem>>, vector<1x16xf32>,
        %get3A_511 = vector.shape_cast %get3A_510 : vector<1x16xf32> to vector<16xf32>
        %add3A_512 = arith.addi %rem3A_210, %mul3A_243 : i32
        %add3A_513 = arith.constant 1 : i32
        %add3A_514 = arith.addi %add3A_512, %add3A_513 : i32
        %get3A_515 = arith.index_cast %add3A_514 : i32 to index
        %get3A_516 = arith.constant 48 : index
        %get3A_517 = tpu.vector_load %arg6[%get3A_515, %get3A_516] {strides = array<i32>} : memref<200x128xf32, #tpu.memory_space<vmem>>, vector<1x16xf32>,
        %get3A_518 = vector.shape_cast %get3A_517 : vector<1x16xf32> to vector<16xf32>
        %add3A_519 = arith.addi %rem3A_210, %mul3A_243 : i32
        %add3A_520 = arith.constant 1 : i32
        %add3A_521 = arith.addi %add3A_519, %add3A_520 : i32
        %get3A_522 = arith.index_cast %add3A_521 : i32 to index
        %get3A_523 = arith.constant 64 : index
        %get3A_524 = tpu.vector_load %arg6[%get3A_522, %get3A_523] {strides = array<i32>} : memref<200x128xf32, #tpu.memory_space<vmem>>, vector<1x16xf32>,
        %get3A_525 = vector.shape_cast %get3A_524 : vector<1x16xf32> to vector<16xf32>
        %add3A_526 = arith.addi %rem3A_210, %mul3A_243 : i32
        %add3A_527 = arith.constant 1 : i32
        %add3A_528 = arith.addi %add3A_526, %add3A_527 : i32
        %get3A_529 = arith.index_cast %add3A_528 : i32 to index
        %get3A_530 = arith.constant 80 : index
        %get3A_531 = tpu.vector_load %arg6[%get3A_529, %get3A_530] {strides = array<i32>} : memref<200x128xf32, #tpu.memory_space<vmem>>, vector<1x16xf32>,
        %get3A_532 = vector.shape_cast %get3A_531 : vector<1x16xf32> to vector<16xf32>
        %add3A_533 = arith.addi %rem3A_210, %mul3A_243 : i32
        %add3A_534 = arith.constant 1 : i32
        %add3A_535 = arith.addi %add3A_533, %add3A_534 : i32
        %get3A_536 = arith.index_cast %add3A_535 : i32 to index
        %get3A_537 = arith.constant 96 : index
        %get3A_538 = tpu.vector_load %arg6[%get3A_536, %get3A_537] {strides = array<i32>} : memref<200x128xf32, #tpu.memory_space<vmem>>, vector<1x16xf32>,
        %get3A_539 = vector.shape_cast %get3A_538 : vector<1x16xf32> to vector<16xf32>
        %add3A_540 = arith.addi %rem3A_210, %mul3A_243 : i32
        %add3A_541 = arith.constant 1 : i32
        %add3A_542 = arith.addi %add3A_540, %add3A_541 : i32
        %get3A_543 = arith.index_cast %add3A_542 : i32 to index
        %get3A_544 = arith.constant 112 : index
        %get3A_545 = tpu.vector_load %arg6[%get3A_543, %get3A_544] {strides = array<i32>} : memref<200x128xf32, #tpu.memory_space<vmem>>, vector<1x16xf32>,
        %get3A_546 = vector.shape_cast %get3A_545 : vector<1x16xf32> to vector<16xf32>
        %add3A_547 = arith.addf %get3A_254, %get3A_441 : vector<16xf32>
        %add3A_548 = arith.constant 0 : i32
        %add3A_549 = arith.addi %mul3A_243, %add3A_548 : i32
        %mul3A_550 = arith.constant 2 : i32
        %mul3A_551 = arith.muli %mul3A_550, %add3A_549 : i32
        %add3A_552 = arith.constant 0 : i32
        %add3A_553 = arith.addi %mul3A_551, %add3A_552 : i32
        %swap3A = arith.constant 1 : i32
        %swap3A_554 = arith.index_cast %swap3A : i32 to index
        %swap3A_555 = arith.index_cast %add3A_553 : i32 to index
        %swap3A_556 = arith.constant 0 : index
        %swap3A_557 = tpu.vector_load %arg9[%swap3A_554, %swap3A_555, %swap3A_556] {strides = array<i32>} : memref<2x64x64xf32, #tpu.memory_space<vmem>>, vector<1x1x16xf32>,
        %swap3A_558 = vector.shape_cast %swap3A_557 : vector<1x1x16xf32> to vector<16xf32>
        %swap3A_559 = vector.shape_cast %add3A_547 : vector<16xf32> to vector<1x1x16xf32>
        tpu.vector_store %arg9[%swap3A_554, %swap3A_555, %swap3A_556], %swap3A_559 {strides = array<i32>} : memref<2x64x64xf32, #tpu.memory_space<vmem>>, vector<1x1x16xf32>,
        %add3A_560 = arith.addf %get3A_266, %get3A_448 : vector<16xf32>
        %add3A_561 = arith.constant 0 : i32
        %add3A_562 = arith.addi %mul3A_243, %add3A_561 : i32
        %mul3A_563 = arith.constant 2 : i32
        %mul3A_564 = arith.muli %mul3A_563, %add3A_562 : i32
        %add3A_565 = arith.constant 0 : i32
        %add3A_566 = arith.addi %mul3A_564, %add3A_565 : i32
        %swap3A_567 = arith.constant 1 : i32
        %swap3A_568 = arith.index_cast %swap3A_567 : i32 to index
        %swap3A_569 = arith.index_cast %add3A_566 : i32 to index
        %swap3A_570 = arith.constant 16 : index
        %swap3A_571 = tpu.vector_load %arg9[%swap3A_568, %swap3A_569, %swap3A_570] {strides = array<i32>} : memref<2x64x64xf32, #tpu.memory_space<vmem>>, vector<1x1x16xf32>,
        %swap3A_572 = vector.shape_cast %swap3A_571 : vector<1x1x16xf32> to vector<16xf32>
        %swap3A_573 = vector.shape_cast %add3A_560 : vector<16xf32> to vector<1x1x16xf32>
        tpu.vector_store %arg9[%swap3A_568, %swap3A_569, %swap3A_570], %swap3A_573 {strides = array<i32>} : memref<2x64x64xf32, #tpu.memory_space<vmem>>, vector<1x1x16xf32>,
        %add3A_574 = arith.addf %get3A_278, %get3A_455 : vector<16xf32>
        %add3A_575 = arith.constant 0 : i32
        %add3A_576 = arith.addi %mul3A_243, %add3A_575 : i32
        %mul3A_577 = arith.constant 2 : i32
        %mul3A_578 = arith.muli %mul3A_577, %add3A_576 : i32
        %add3A_579 = arith.constant 0 : i32
        %add3A_580 = arith.addi %mul3A_578, %add3A_579 : i32
        %swap3A_581 = arith.constant 1 : i32
        %swap3A_582 = arith.index_cast %swap3A_581 : i32 to index
        %swap3A_583 = arith.index_cast %add3A_580 : i32 to index
        %swap3A_584 = arith.constant 32 : index
        %swap3A_585 = tpu.vector_load %arg9[%swap3A_582, %swap3A_583, %swap3A_584] {strides = array<i32>} : memref<2x64x64xf32, #tpu.memory_space<vmem>>, vector<1x1x16xf32>,
        %swap3A_586 = vector.shape_cast %swap3A_585 : vector<1x1x16xf32> to vector<16xf32>
        %swap3A_587 = vector.shape_cast %add3A_574 : vector<16xf32> to vector<1x1x16xf32>
        tpu.vector_store %arg9[%swap3A_582, %swap3A_583, %swap3A_584], %swap3A_587 {strides = array<i32>} : memref<2x64x64xf32, #tpu.memory_space<vmem>>, vector<1x1x16xf32>,
        %add3A_588 = arith.addf %get3A_290, %get3A_462 : vector<16xf32>
        %add3A_589 = arith.constant 0 : i32
        %add3A_590 = arith.addi %mul3A_243, %add3A_589 : i32
        %mul3A_591 = arith.constant 2 : i32
        %mul3A_592 = arith.muli %mul3A_591, %add3A_590 : i32
        %add3A_593 = arith.constant 0 : i32
        %add3A_594 = arith.addi %mul3A_592, %add3A_593 : i32
        %swap3A_595 = arith.constant 1 : i32
        %swap3A_596 = arith.index_cast %swap3A_595 : i32 to index
        %swap3A_597 = arith.index_cast %add3A_594 : i32 to index
        %swap3A_598 = arith.constant 48 : index
        %swap3A_599 = tpu.vector_load %arg9[%swap3A_596, %swap3A_597, %swap3A_598] {strides = array<i32>} : memref<2x64x64xf32, #tpu.memory_space<vmem>>, vector<1x1x16xf32>,
        %swap3A_600 = vector.shape_cast %swap3A_599 : vector<1x1x16xf32> to vector<16xf32>
        %swap3A_601 = vector.shape_cast %add3A_588 : vector<16xf32> to vector<1x1x16xf32>
        tpu.vector_store %arg9[%swap3A_596, %swap3A_597, %swap3A_598], %swap3A_601 {strides = array<i32>} : memref<2x64x64xf32, #tpu.memory_space<vmem>>, vector<1x1x16xf32>,
        %add3A_602 = arith.addf %get3A_302, %get3A_469 : vector<16xf32>
        %add3A_603 = arith.constant 0 : i32
        %add3A_604 = arith.addi %mul3A_243, %add3A_603 : i32
        %mul3A_605 = arith.constant 2 : i32
        %mul3A_606 = arith.muli %mul3A_605, %add3A_604 : i32
        %add3A_607 = arith.constant 1 : i32
        %add3A_608 = arith.addi %mul3A_606, %add3A_607 : i32
        %swap3A_609 = arith.constant 1 : i32
        %swap3A_610 = arith.index_cast %swap3A_609 : i32 to index
        %swap3A_611 = arith.index_cast %add3A_608 : i32 to index
        %swap3A_612 = arith.constant 0 : index
        %swap3A_613 = tpu.vector_load %arg9[%swap3A_610, %swap3A_611, %swap3A_612] {strides = array<i32>} : memref<2x64x64xf32, #tpu.memory_space<vmem>>, vector<1x1x16xf32>,
        %swap3A_614 = vector.shape_cast %swap3A_613 : vector<1x1x16xf32> to vector<16xf32>
        %swap3A_615 = vector.shape_cast %add3A_602 : vector<16xf32> to vector<1x1x16xf32>
        tpu.vector_store %arg9[%swap3A_610, %swap3A_611, %swap3A_612], %swap3A_615 {strides = array<i32>} : memref<2x64x64xf32, #tpu.memory_space<vmem>>, vector<1x1x16xf32>,
        %add3A_616 = arith.addf %get3A_314, %get3A_476 : vector<16xf32>
        %add3A_617 = arith.constant 0 : i32
        %add3A_618 = arith.addi %mul3A_243, %add3A_617 : i32
        %mul3A_619 = arith.constant 2 : i32
        %mul3A_620 = arith.muli %mul3A_619, %add3A_618 : i32
        %add3A_621 = arith.constant 1 : i32
        %add3A_622 = arith.addi %mul3A_620, %add3A_621 : i32
        %swap3A_623 = arith.constant 1 : i32
        %swap3A_624 = arith.index_cast %swap3A_623 : i32 to index
        %swap3A_625 = arith.index_cast %add3A_622 : i32 to index
        %swap3A_626 = arith.constant 16 : index
        %swap3A_627 = tpu.vector_load %arg9[%swap3A_624, %swap3A_625, %swap3A_626] {strides = array<i32>} : memref<2x64x64xf32, #tpu.memory_space<vmem>>, vector<1x1x16xf32>,
        %swap3A_628 = vector.shape_cast %swap3A_627 : vector<1x1x16xf32> to vector<16xf32>
        %swap3A_629 = vector.shape_cast %add3A_616 : vector<16xf32> to vector<1x1x16xf32>
        tpu.vector_store %arg9[%swap3A_624, %swap3A_625, %swap3A_626], %swap3A_629 {strides = array<i32>} : memref<2x64x64xf32, #tpu.memory_space<vmem>>, vector<1x1x16xf32>,
        %add3A_630 = arith.addf %get3A_326, %get3A_483 : vector<16xf32>
        %add3A_631 = arith.constant 0 : i32
        %add3A_632 = arith.addi %mul3A_243, %add3A_631 : i32
        %mul3A_633 = arith.constant 2 : i32
        %mul3A_634 = arith.muli %mul3A_633, %add3A_632 : i32
        %add3A_635 = arith.constant 1 : i32
        %add3A_636 = arith.addi %mul3A_634, %add3A_635 : i32
        %swap3A_637 = arith.constant 1 : i32
        %swap3A_638 = arith.index_cast %swap3A_637 : i32 to index
        %swap3A_639 = arith.index_cast %add3A_636 : i32 to index
        %swap3A_640 = arith.constant 32 : index
        %swap3A_641 = tpu.vector_load %arg9[%swap3A_638, %swap3A_639, %swap3A_640] {strides = array<i32>} : memref<2x64x64xf32, #tpu.memory_space<vmem>>, vector<1x1x16xf32>,
        %swap3A_642 = vector.shape_cast %swap3A_641 : vector<1x1x16xf32> to vector<16xf32>
        %swap3A_643 = vector.shape_cast %add3A_630 : vector<16xf32> to vector<1x1x16xf32>
        tpu.vector_store %arg9[%swap3A_638, %swap3A_639, %swap3A_640], %swap3A_643 {strides = array<i32>} : memref<2x64x64xf32, #tpu.memory_space<vmem>>, vector<1x1x16xf32>,
        %add3A_644 = arith.addf %get3A_338, %get3A_490 : vector<16xf32>
        %add3A_645 = arith.constant 0 : i32
        %add3A_646 = arith.addi %mul3A_243, %add3A_645 : i32
        %mul3A_647 = arith.constant 2 : i32
        %mul3A_648 = arith.muli %mul3A_647, %add3A_646 : i32
        %add3A_649 = arith.constant 1 : i32
        %add3A_650 = arith.addi %mul3A_648, %add3A_649 : i32
        %swap3A_651 = arith.constant 1 : i32
        %swap3A_652 = arith.index_cast %swap3A_651 : i32 to index
        %swap3A_653 = arith.index_cast %add3A_650 : i32 to index
        %swap3A_654 = arith.constant 48 : index
        %swap3A_655 = tpu.vector_load %arg9[%swap3A_652, %swap3A_653, %swap3A_654] {strides = array<i32>} : memref<2x64x64xf32, #tpu.memory_space<vmem>>, vector<1x1x16xf32>,
        %swap3A_656 = vector.shape_cast %swap3A_655 : vector<1x1x16xf32> to vector<16xf32>
        %swap3A_657 = vector.shape_cast %add3A_644 : vector<16xf32> to vector<1x1x16xf32>
        tpu.vector_store %arg9[%swap3A_652, %swap3A_653, %swap3A_654], %swap3A_657 {strides = array<i32>} : memref<2x64x64xf32, #tpu.memory_space<vmem>>, vector<1x1x16xf32>,
        %add3A_658 = arith.addf %get3A_350, %get3A_497 : vector<16xf32>
        %add3A_659 = arith.constant 1 : i32
        %add3A_660 = arith.addi %mul3A_243, %add3A_659 : i32
        %mul3A_661 = arith.constant 2 : i32
        %mul3A_662 = arith.muli %mul3A_661, %add3A_660 : i32
        %add3A_663 = arith.constant 0 : i32
        %add3A_664 = arith.addi %mul3A_662, %add3A_663 : i32
        %swap3A_665 = arith.constant 1 : i32
        %swap3A_666 = arith.index_cast %swap3A_665 : i32 to index
        %swap3A_667 = arith.index_cast %add3A_664 : i32 to index
        %swap3A_668 = arith.constant 0 : index
        %swap3A_669 = tpu.vector_load %arg9[%swap3A_666, %swap3A_667, %swap3A_668] {strides = array<i32>} : memref<2x64x64xf32, #tpu.memory_space<vmem>>, vector<1x1x16xf32>,
        %swap3A_670 = vector.shape_cast %swap3A_669 : vector<1x1x16xf32> to vector<16xf32>
        %swap3A_671 = vector.shape_cast %add3A_658 : vector<16xf32> to vector<1x1x16xf32>
        tpu.vector_store %arg9[%swap3A_666, %swap3A_667, %swap3A_668], %swap3A_671 {strides = array<i32>} : memref<2x64x64xf32, #tpu.memory_space<vmem>>, vector<1x1x16xf32>,
        %add3A_672 = arith.addf %get3A_362, %get3A_504 : vector<16xf32>
        %add3A_673 = arith.constant 1 : i32
        %add3A_674 = arith.addi %mul3A_243, %add3A_673 : i32
        %mul3A_675 = arith.constant 2 : i32
        %mul3A_676 = arith.muli %mul3A_675, %add3A_674 : i32
        %add3A_677 = arith.constant 0 : i32
        %add3A_678 = arith.addi %mul3A_676, %add3A_677 : i32
        %swap3A_679 = arith.constant 1 : i32
        %swap3A_680 = arith.index_cast %swap3A_679 : i32 to index
        %swap3A_681 = arith.index_cast %add3A_678 : i32 to index
        %swap3A_682 = arith.constant 16 : index
        %swap3A_683 = tpu.vector_load %arg9[%swap3A_680, %swap3A_681, %swap3A_682] {strides = array<i32>} : memref<2x64x64xf32, #tpu.memory_space<vmem>>, vector<1x1x16xf32>,
        %swap3A_684 = vector.shape_cast %swap3A_683 : vector<1x1x16xf32> to vector<16xf32>
        %swap3A_685 = vector.shape_cast %add3A_672 : vector<16xf32> to vector<1x1x16xf32>
        tpu.vector_store %arg9[%swap3A_680, %swap3A_681, %swap3A_682], %swap3A_685 {strides = array<i32>} : memref<2x64x64xf32, #tpu.memory_space<vmem>>, vector<1x1x16xf32>,
        %add3A_686 = arith.addf %get3A_374, %get3A_511 : vector<16xf32>
        %add3A_687 = arith.constant 1 : i32
        %add3A_688 = arith.addi %mul3A_243, %add3A_687 : i32
        %mul3A_689 = arith.constant 2 : i32
        %mul3A_690 = arith.muli %mul3A_689, %add3A_688 : i32
        %add3A_691 = arith.constant 0 : i32
        %add3A_692 = arith.addi %mul3A_690, %add3A_691 : i32
        %swap3A_693 = arith.constant 1 : i32
        %swap3A_694 = arith.index_cast %swap3A_693 : i32 to index
        %swap3A_695 = arith.index_cast %add3A_692 : i32 to index
        %swap3A_696 = arith.constant 32 : index
        %swap3A_697 = tpu.vector_load %arg9[%swap3A_694, %swap3A_695, %swap3A_696] {strides = array<i32>} : memref<2x64x64xf32, #tpu.memory_space<vmem>>, vector<1x1x16xf32>,
        %swap3A_698 = vector.shape_cast %swap3A_697 : vector<1x1x16xf32> to vector<16xf32>
        %swap3A_699 = vector.shape_cast %add3A_686 : vector<16xf32> to vector<1x1x16xf32>
        tpu.vector_store %arg9[%swap3A_694, %swap3A_695, %swap3A_696], %swap3A_699 {strides = array<i32>} : memref<2x64x64xf32, #tpu.memory_space<vmem>>, vector<1x1x16xf32>,
        %add3A_700 = arith.addf %get3A_386, %get3A_518 : vector<16xf32>
        %add3A_701 = arith.constant 1 : i32
        %add3A_702 = arith.addi %mul3A_243, %add3A_701 : i32
        %mul3A_703 = arith.constant 2 : i32
        %mul3A_704 = arith.muli %mul3A_703, %add3A_702 : i32
        %add3A_705 = arith.constant 0 : i32
        %add3A_706 = arith.addi %mul3A_704, %add3A_705 : i32
        %swap3A_707 = arith.constant 1 : i32
        %swap3A_708 = arith.index_cast %swap3A_707 : i32 to index
        %swap3A_709 = arith.index_cast %add3A_706 : i32 to index
        %swap3A_710 = arith.constant 48 : index
        %swap3A_711 = tpu.vector_load %arg9[%swap3A_708, %swap3A_709, %swap3A_710] {strides = array<i32>} : memref<2x64x64xf32, #tpu.memory_space<vmem>>, vector<1x1x16xf32>,
        %swap3A_712 = vector.shape_cast %swap3A_711 : vector<1x1x16xf32> to vector<16xf32>
        %swap3A_713 = vector.shape_cast %add3A_700 : vector<16xf32> to vector<1x1x16xf32>
        tpu.vector_store %arg9[%swap3A_708, %swap3A_709, %swap3A_710], %swap3A_713 {strides = array<i32>} : memref<2x64x64xf32, #tpu.memory_space<vmem>>, vector<1x1x16xf32>,
        %add3A_714 = arith.addf %get3A_398, %get3A_525 : vector<16xf32>
        %add3A_715 = arith.constant 1 : i32
        %add3A_716 = arith.addi %mul3A_243, %add3A_715 : i32
        %mul3A_717 = arith.constant 2 : i32
        %mul3A_718 = arith.muli %mul3A_717, %add3A_716 : i32
        %add3A_719 = arith.constant 1 : i32
        %add3A_720 = arith.addi %mul3A_718, %add3A_719 : i32
        %swap3A_721 = arith.constant 1 : i32
        %swap3A_722 = arith.index_cast %swap3A_721 : i32 to index
        %swap3A_723 = arith.index_cast %add3A_720 : i32 to index
        %swap3A_724 = arith.constant 0 : index
        %swap3A_725 = tpu.vector_load %arg9[%swap3A_722, %swap3A_723, %swap3A_724] {strides = array<i32>} : memref<2x64x64xf32, #tpu.memory_space<vmem>>, vector<1x1x16xf32>,
        %swap3A_726 = vector.shape_cast %swap3A_725 : vector<1x1x16xf32> to vector<16xf32>
        %swap3A_727 = vector.shape_cast %add3A_714 : vector<16xf32> to vector<1x1x16xf32>
        tpu.vector_store %arg9[%swap3A_722, %swap3A_723, %swap3A_724], %swap3A_727 {strides = array<i32>} : memref<2x64x64xf32, #tpu.memory_space<vmem>>, vector<1x1x16xf32>,
        %add3A_728 = arith.addf %get3A_410, %get3A_532 : vector<16xf32>
        %add3A_729 = arith.constant 1 : i32
        %add3A_730 = arith.addi %mul3A_243, %add3A_729 : i32
        %mul3A_731 = arith.constant 2 : i32
        %mul3A_732 = arith.muli %mul3A_731, %add3A_730 : i32
        %add3A_733 = arith.constant 1 : i32
        %add3A_734 = arith.addi %mul3A_732, %add3A_733 : i32
        %swap3A_735 = arith.constant 1 : i32
        %swap3A_736 = arith.index_cast %swap3A_735 : i32 to index
        %swap3A_737 = arith.index_cast %add3A_734 : i32 to index
        %swap3A_738 = arith.constant 16 : index
        %swap3A_739 = tpu.vector_load %arg9[%swap3A_736, %swap3A_737, %swap3A_738] {strides = array<i32>} : memref<2x64x64xf32, #tpu.memory_space<vmem>>, vector<1x1x16xf32>,
        %swap3A_740 = vector.shape_cast %swap3A_739 : vector<1x1x16xf32> to vector<16xf32>
        %swap3A_741 = vector.shape_cast %add3A_728 : vector<16xf32> to vector<1x1x16xf32>
        tpu.vector_store %arg9[%swap3A_736, %swap3A_737, %swap3A_738], %swap3A_741 {strides = array<i32>} : memref<2x64x64xf32, #tpu.memory_space<vmem>>, vector<1x1x16xf32>,
        %add3A_742 = arith.addf %get3A_422, %get3A_539 : vector<16xf32>
        %add3A_743 = arith.constant 1 : i32
        %add3A_744 = arith.addi %mul3A_243, %add3A_743 : i32
        %mul3A_745 = arith.constant 2 : i32
        %mul3A_746 = arith.muli %mul3A_745, %add3A_744 : i32
        %add3A_747 = arith.constant 1 : i32
        %add3A_748 = arith.addi %mul3A_746, %add3A_747 : i32
        %swap3A_749 = arith.constant 1 : i32
        %swap3A_750 = arith.index_cast %swap3A_749 : i32 to index
        %swap3A_751 = arith.index_cast %add3A_748 : i32 to index
        %swap3A_752 = arith.constant 32 : index
        %swap3A_753 = tpu.vector_load %arg9[%swap3A_750, %swap3A_751, %swap3A_752] {strides = array<i32>} : memref<2x64x64xf32, #tpu.memory_space<vmem>>, vector<1x1x16xf32>,
        %swap3A_754 = vector.shape_cast %swap3A_753 : vector<1x1x16xf32> to vector<16xf32>
        %swap3A_755 = vector.shape_cast %add3A_742 : vector<16xf32> to vector<1x1x16xf32>
        tpu.vector_store %arg9[%swap3A_750, %swap3A_751, %swap3A_752], %swap3A_755 {strides = array<i32>} : memref<2x64x64xf32, #tpu.memory_space<vmem>>, vector<1x1x16xf32>,
        %add3A_756 = arith.addf %get3A_434, %get3A_546 : vector<16xf32>
        %add3A_757 = arith.constant 1 : i32
        %add3A_758 = arith.addi %mul3A_243, %add3A_757 : i32
        %mul3A_759 = arith.constant 2 : i32
        %mul3A_760 = arith.muli %mul3A_759, %add3A_758 : i32
        %add3A_761 = arith.constant 1 : i32
        %add3A_762 = arith.addi %mul3A_760, %add3A_761 : i32
        %swap3A_763 = arith.constant 1 : i32
        %swap3A_764 = arith.index_cast %swap3A_763 : i32 to index
        %swap3A_765 = arith.index_cast %add3A_762 : i32 to index
        %swap3A_766 = arith.constant 48 : index
        %swap3A_767 = tpu.vector_load %arg9[%swap3A_764, %swap3A_765, %swap3A_766] {strides = array<i32>} : memref<2x64x64xf32, #tpu.memory_space<vmem>>, vector<1x1x16xf32>,
        %swap3A_768 = vector.shape_cast %swap3A_767 : vector<1x1x16xf32> to vector<16xf32>
        %swap3A_769 = vector.shape_cast %add3A_756 : vector<16xf32> to vector<1x1x16xf32>
        tpu.vector_store %arg9[%swap3A_764, %swap3A_765, %swap3A_766], %swap3A_769 {strides = array<i32>} : memref<2x64x64xf32, #tpu.memory_space<vmem>>, vector<1x1x16xf32>,
      }
      %scan3A_216 = arith.constant 16 : i32
      %add3A_217 = arith.addi %mul3A_4, %add3A_183 : i32
      %mul3A_218 = arith.constant 64 : i32
      %mul3A_219 = arith.muli %add3A_217, %mul3A_218 : i32
      %dma_start3A_220 = arith.constant 1 : i32
      %dma_start3A_221 = arith.constant 1 : i32
      %dma_start3A_222 = arith.constant 0 : i32
      %dma_start3A_223 = arith.constant 0 : i32
      %dma_start3A_224 = tpu.memref_slice %arg9[%dma_start3A_220, %dma_start3A_222, %dma_start3A_223] : memref<2x64x64xf32, #tpu.memory_space<vmem>> -> memref<1x64x64xf32, #tpu.memory_space<vmem>>
      %dma_start3A_225 = tpu.memref_squeeze %dma_start3A_224 : memref<1x64x64xf32, #tpu.memory_space<vmem>> -> memref<64x64xf32, #tpu.memory_space<vmem>>
      %dma_start3A_226 = arith.constant 0 : i32
      %dma_start3A_227 = tpu.memref_slice %arg5[%mul3A_219, %dma_start3A_226] : memref<819200x64xf32, #tpu.memory_space<hbm>> -> memref<64x64xf32, #tpu.memory_space<hbm>>
      %dma_start3A_228 = tpu.memref_slice %arg11[%dma_start3A_221] : memref<2x!tpu.dma_semaphore, #tpu.memory_space<semaphore_mem>> -> memref<1x!tpu.dma_semaphore, #tpu.memory_space<semaphore_mem>>
      %dma_start3A_229 = tpu.memref_squeeze %dma_start3A_228 : memref<1x!tpu.dma_semaphore, #tpu.memory_space<semaphore_mem>> -> memref<!tpu.dma_semaphore, #tpu.memory_space<semaphore_mem>>
      %dma_start3A_230 = arith.constant 0 : i32
      %dma_start3A_231 = tpu.memref_slice %arg5[%mul3A_219, %dma_start3A_230] : memref<819200x64xf32, #tpu.memory_space<hbm>> -> memref<64x64xf32, #tpu.memory_space<hbm>>
      %dma_start3A_232 = arith.constant 0 : i32
      %dma_start3A_233 = arith.constant 0 : i32
      %dma_start3A_234 = tpu.memref_slice %arg9[%dma_start3A_220, %dma_start3A_232, %dma_start3A_233] : memref<2x64x64xf32, #tpu.memory_space<vmem>> -> memref<1x64x64xf32, #tpu.memory_space<vmem>>
      %dma_start3A_235 = tpu.memref_squeeze %dma_start3A_234 : memref<1x64x64xf32, #tpu.memory_space<vmem>> -> memref<64x64xf32, #tpu.memory_space<vmem>>
      tpu.enqueue_dma source(%dma_start3A_235 : memref<64x64xf32, #tpu.memory_space<vmem>>) target(%dma_start3A_231 : memref<64x64xf32, #tpu.memory_space<hbm>>) target_semaphore(%dma_start3A_229 : memref<!tpu.dma_semaphore, #tpu.memory_space<semaphore_mem>>)
      %lt3A_236 = arith.constant 199 : i32
      %lt3A_237 = arith.cmpi slt, %scan3A_108, %lt3A_236 : i32
      %convert_element_type3A_238 = arith.extui %lt3A_237 : i1 to i32
      %cond3A_239 = arith.constant 0 : i32
      %cond3A_240 = arith.cmpi ne, %convert_element_type3A_238, %cond3A_239 : i32
      scf.if %cond3A_240 {
        %add3A_241 = arith.constant 2 : i32
        %add3A_242 = arith.addi %add3A_183, %add3A_241 : i32
        %jit3A = arith.constant 2 : i32
        %div3A = arith.divsi %add3A_242, %jit3A : i32
        %sign3A = arith.constant 0 : i32
        %sign3A_243 = arith.cmpi sgt, %add3A_242, %sign3A : i32
        %sign3A_244 = arith.extui %sign3A_243 : i1 to i32
        %sign3A_245 = arith.constant 0 : i32
        %sign3A_246 = arith.cmpi slt, %add3A_242, %sign3A_245 : i32
        %sign3A_247 = arith.extui %sign3A_246 : i1 to i32
        %sign3A_248 = arith.subi %sign3A_244, %sign3A_247 : i32
        %sign3A_249 = arith.constant 0 : i32
        %sign3A_250 = arith.cmpi sgt, %jit3A, %sign3A_249 : i32
        %sign3A_251 = arith.extui %sign3A_250 : i1 to i32
        %sign3A_252 = arith.constant 0 : i32
        %sign3A_253 = arith.cmpi slt, %jit3A, %sign3A_252 : i32
        %sign3A_254 = arith.extui %sign3A_253 : i1 to i32
        %sign3A_255 = arith.subi %sign3A_251, %sign3A_254 : i32
        %ne3A = arith.cmpi ne, %sign3A_248, %sign3A_255 : i32
        %rem3A_256 = arith.remsi %add3A_242, %jit3A : i32
        %ne3A_257 = arith.constant 0 : i32
        %ne3A_258 = arith.cmpi ne, %rem3A_256, %ne3A_257 : i32
        %and3A = arith.andi %ne3A, %ne3A_258 : i1
        %sub3A = arith.constant 1 : i32
        %sub3A_259 = arith.subi %div3A, %sub3A : i32
        %select_n3A = arith.select %and3A, %sub3A_259, %div3A : i32
        %jit3A_260 = arith.constant 8 : i32
        %div3A_261 = arith.divsi %select_n3A, %jit3A_260 : i32
        %sign3A_262 = arith.constant 0 : i32
        %sign3A_263 = arith.cmpi sgt, %select_n3A, %sign3A_262 : i32
        %sign3A_264 = arith.extui %sign3A_263 : i1 to i32
        %sign3A_265 = arith.constant 0 : i32
        %sign3A_266 = arith.cmpi slt, %select_n3A, %sign3A_265 : i32
        %sign3A_267 = arith.extui %sign3A_266 : i1 to i32
        %sign3A_268 = arith.subi %sign3A_264, %sign3A_267 : i32
        %sign3A_269 = arith.constant 0 : i32
        %sign3A_270 = arith.cmpi sgt, %jit3A_260, %sign3A_269 : i32
        %sign3A_271 = arith.extui %sign3A_270 : i1 to i32
        %sign3A_272 = arith.constant 0 : i32
        %sign3A_273 = arith.cmpi slt, %jit3A_260, %sign3A_272 : i32
        %sign3A_274 = arith.extui %sign3A_273 : i1 to i32
        %sign3A_275 = arith.subi %sign3A_271, %sign3A_274 : i32
        %ne3A_276 = arith.cmpi ne, %sign3A_268, %sign3A_275 : i32
        %rem3A_277 = arith.remsi %select_n3A, %jit3A_260 : i32
        %ne3A_278 = arith.constant 0 : i32
        %ne3A_279 = arith.cmpi ne, %rem3A_277, %ne3A_278 : i32
        %and3A_280 = arith.andi %ne3A_276, %ne3A_279 : i1
        %sub3A_281 = arith.constant 1 : i32
        %sub3A_282 = arith.subi %div3A_261, %sub3A_281 : i32
        %select_n3A_283 = arith.select %and3A_280, %sub3A_282, %div3A_261 : i32
        %jit3A_284 = arith.constant 2 : i32
        %eq3A_285 = arith.constant 0 : i32
        %eq3A_286 = arith.cmpi eq, %jit3A_284, %eq3A_285 : i32
        %jit3A_287 = arith.constant 1 : i32
        %select_n3A_288 = arith.select %eq3A_286, %jit3A_287, %jit3A_284 : i32
        %rem3A_289 = arith.remsi %select_n3A_283, %select_n3A_288 : i32
        %ne3A_290 = arith.constant 0 : i32
        %ne3A_291 = arith.cmpi ne, %rem3A_289, %ne3A_290 : i32
        %lt3A_292 = arith.constant 0 : i32
        %lt3A_293 = arith.cmpi slt, %rem3A_289, %lt3A_292 : i32
        %lt3A_294 = arith.constant 0 : i32
        %lt3A_295 = arith.cmpi slt, %select_n3A_288, %lt3A_294 : i32
        %ne3A_296 = arith.xori %lt3A_293, %lt3A_295 : i1
        %and3A_297 = arith.andi %ne3A_296, %ne3A_291 : i1
        %add3A_298 = arith.addi %rem3A_289, %select_n3A_288 : i32
        %select_n3A_299 = arith.select %and3A_297, %add3A_298, %rem3A_289 : i32
        %jit3A_300 = arith.constant 8 : i32
        %eq3A_301 = arith.constant 0 : i32
        %eq3A_302 = arith.cmpi eq, %jit3A_300, %eq3A_301 : i32
        %jit3A_303 = arith.constant 1 : i32
        %select_n3A_304 = arith.select %eq3A_302, %jit3A_303, %jit3A_300 : i32
        %rem3A_305 = arith.remsi %select_n3A, %select_n3A_304 : i32
        %ne3A_306 = arith.constant 0 : i32
        %ne3A_307 = arith.cmpi ne, %rem3A_305, %ne3A_306 : i32
        %lt3A_308 = arith.constant 0 : i32
        %lt3A_309 = arith.cmpi slt, %rem3A_305, %lt3A_308 : i32
        %lt3A_310 = arith.constant 0 : i32
        %lt3A_311 = arith.cmpi slt, %select_n3A_304, %lt3A_310 : i32
        %ne3A_312 = arith.xori %lt3A_309, %lt3A_311 : i1
        %and3A_313 = arith.andi %ne3A_312, %ne3A_307 : i1
        %add3A_314 = arith.addi %rem3A_305, %select_n3A_304 : i32
        %select_n3A_315 = arith.select %and3A_313, %add3A_314, %rem3A_305 : i32
        %jit3A_316 = arith.constant 2 : i32
        %eq3A_317 = arith.constant 0 : i32
        %eq3A_318 = arith.cmpi eq, %jit3A_316, %eq3A_317 : i32
        %jit3A_319 = arith.constant 1 : i32
        %select_n3A_320 = arith.select %eq3A_318, %jit3A_319, %jit3A_316 : i32
        %rem3A_321 = arith.remsi %add3A_242, %select_n3A_320 : i32
        %ne3A_322 = arith.constant 0 : i32
        %ne3A_323 = arith.cmpi ne, %rem3A_321, %ne3A_322 : i32
        %lt3A_324 = arith.constant 0 : i32
        %lt3A_325 = arith.cmpi slt, %rem3A_321, %lt3A_324 : i32
        %lt3A_326 = arith.constant 0 : i32
        %lt3A_327 = arith.cmpi slt, %select_n3A_320, %lt3A_326 : i32
        %ne3A_328 = arith.xori %lt3A_325, %lt3A_327 : i1
        %and3A_329 = arith.andi %ne3A_328, %ne3A_323 : i1
        %add3A_330 = arith.addi %rem3A_321, %select_n3A_320 : i32
        %select_n3A_331 = arith.select %and3A_329, %add3A_330, %rem3A_321 : i32
        %mul3A_332 = arith.constant 64 : i32
        %mul3A_333 = arith.muli %select_n3A_331, %mul3A_332 : i32
        %add3A_334 = arith.constant 0 : i32
        %add3A_335 = arith.addi %mul3A_333, %add3A_334 : i32
        %dma_start3A_336 = arith.constant 1 : i32
        %dma_start3A_337 = arith.constant 1 : i32
        %dma_start3A_338 = arith.constant 0 : i32
        %dma_start3A_339 = arith.constant 0 : i32
        %dma_start3A_340 = tpu.memref_slice %arg8[%dma_start3A_336, %dma_start3A_338, %dma_start3A_339] : memref<2x64x128xf32, #tpu.memory_space<vmem>> -> memref<1x32x128xf32, #tpu.memory_space<vmem>>
        %dma_start3A_341 = tpu.memref_squeeze %dma_start3A_340 : memref<1x32x128xf32, #tpu.memory_space<vmem>> -> memref<32x128xf32, #tpu.memory_space<vmem>>
        %dma_start3A_342 = tpu.memref_slice %arg7[%select_n3A_299, %select_n3A_315, %add3A_335] : memref<2x8x128xi32, #tpu.memory_space<vmem>> -> memref<1x1x32xi32, #tpu.memory_space<vmem>>
        %dma_start3A_343 = tpu.memref_squeeze %dma_start3A_342 : memref<1x1x32xi32, #tpu.memory_space<vmem>> -> memref<32xi32, #tpu.memory_space<vmem>>
        %dma_start3A_344 = arith.constant 0 : i32
        %dma_start3A_345 = arith.constant 0 : i32
        %dma_start3A_346 = tpu.memref_slice %arg3[%dma_start3A_344, %dma_start3A_345] : memref<100000x128xf32, #tpu.memory_space<hbm>> -> memref<100000x128xf32, #tpu.memory_space<hbm>>
        %dma_start3A_347 = tpu.memref_slice %arg10[%dma_start3A_337] : memref<2x!tpu.dma_semaphore, #tpu.memory_space<semaphore_mem>> -> memref<1x!tpu.dma_semaphore, #tpu.memory_space<semaphore_mem>>
        %dma_start3A_348 = tpu.memref_squeeze %dma_start3A_347 : memref<1x!tpu.dma_semaphore, #tpu.memory_space<semaphore_mem>> -> memref<!tpu.dma_semaphore, #tpu.memory_space<semaphore_mem>>
        tpu.enqueue_indirect_dma source(%dma_start3A_346 : memref<100000x128xf32, #tpu.memory_space<hbm>>) target(%dma_start3A_341 : memref<32x128xf32, #tpu.memory_space<vmem>>) offsets(%dma_start3A_343 : memref<32xi32, #tpu.memory_space<vmem>>) semaphore(%dma_start3A_348 : memref<!tpu.dma_semaphore, #tpu.memory_space<semaphore_mem>>)
        %add3A_349 = arith.constant 32 : i32
        %add3A_350 = arith.addi %mul3A_333, %add3A_349 : i32
        %dma_start3A_351 = arith.constant 1 : i32
        %dma_start3A_352 = arith.constant 1 : i32
        %dma_start3A_353 = arith.constant 32 : i32
        %dma_start3A_354 = arith.constant 0 : i32
        %dma_start3A_355 = tpu.memref_slice %arg8[%dma_start3A_351, %dma_start3A_353, %dma_start3A_354] : memref<2x64x128xf32, #tpu.memory_space<vmem>> -> memref<1x32x128xf32, #tpu.memory_space<vmem>>
        %dma_start3A_356 = tpu.memref_squeeze %dma_start3A_355 : memref<1x32x128xf32, #tpu.memory_space<vmem>> -> memref<32x128xf32, #tpu.memory_space<vmem>>
        %dma_start3A_357 = tpu.memref_slice %arg7[%select_n3A_299, %select_n3A_315, %add3A_350] : memref<2x8x128xi32, #tpu.memory_space<vmem>> -> memref<1x1x32xi32, #tpu.memory_space<vmem>>
        %dma_start3A_358 = tpu.memref_squeeze %dma_start3A_357 : memref<1x1x32xi32, #tpu.memory_space<vmem>> -> memref<32xi32, #tpu.memory_space<vmem>>
        %dma_start3A_359 = arith.constant 0 : i32
        %dma_start3A_360 = arith.constant 0 : i32
        %dma_start3A_361 = tpu.memref_slice %arg3[%dma_start3A_359, %dma_start3A_360] : memref<100000x128xf32, #tpu.memory_space<hbm>> -> memref<100000x128xf32, #tpu.memory_space<hbm>>
        %dma_start3A_362 = tpu.memref_slice %arg10[%dma_start3A_352] : memref<2x!tpu.dma_semaphore, #tpu.memory_space<semaphore_mem>> -> memref<1x!tpu.dma_semaphore, #tpu.memory_space<semaphore_mem>>
        %dma_start3A_363 = tpu.memref_squeeze %dma_start3A_362 : memref<1x!tpu.dma_semaphore, #tpu.memory_space<semaphore_mem>> -> memref<!tpu.dma_semaphore, #tpu.memory_space<semaphore_mem>>
        tpu.enqueue_indirect_dma source(%dma_start3A_361 : memref<100000x128xf32, #tpu.memory_space<hbm>>) target(%dma_start3A_356 : memref<32x128xf32, #tpu.memory_space<vmem>>) offsets(%dma_start3A_358 : memref<32xi32, #tpu.memory_space<vmem>>) semaphore(%dma_start3A_363 : memref<!tpu.dma_semaphore, #tpu.memory_space<semaphore_mem>>)
      } else {
      }
    }
    %scan3A_72 = arith.constant 200 : i32
    %dma_wait3A = arith.constant 0 : i32
    %dma_wait3A_73 = arith.constant 0 : i32
    %dma_wait3A_74 = arith.constant 0 : i32
    %dma_wait3A_75 = arith.constant 0 : i32
    %dma_wait3A_76 = tpu.memref_slice %arg9[%dma_wait3A, %dma_wait3A_74, %dma_wait3A_75] : memref<2x64x64xf32, #tpu.memory_space<vmem>> -> memref<1x64x64xf32, #tpu.memory_space<vmem>>
    %dma_wait3A_77 = tpu.memref_squeeze %dma_wait3A_76 : memref<1x64x64xf32, #tpu.memory_space<vmem>> -> memref<64x64xf32, #tpu.memory_space<vmem>>
    %dma_wait3A_78 = arith.constant 0 : i32
    %dma_wait3A_79 = arith.constant 0 : i32
    %dma_wait3A_80 = tpu.memref_slice %arg5[%dma_wait3A_78, %dma_wait3A_79] : memref<819200x64xf32, #tpu.memory_space<hbm>> -> memref<64x64xf32, #tpu.memory_space<hbm>>
    %dma_wait3A_81 = tpu.memref_slice %arg11[%dma_wait3A_73] : memref<2x!tpu.dma_semaphore, #tpu.memory_space<semaphore_mem>> -> memref<1x!tpu.dma_semaphore, #tpu.memory_space<semaphore_mem>>
    %dma_wait3A_82 = tpu.memref_squeeze %dma_wait3A_81 : memref<1x!tpu.dma_semaphore, #tpu.memory_space<semaphore_mem>> -> memref<!tpu.dma_semaphore, #tpu.memory_space<semaphore_mem>>
    %dma_wait3A_83 = arith.constant 0 : i32
    %dma_wait3A_84 = arith.constant 0 : i32
    %dma_wait3A_85 = tpu.memref_slice %arg5[%dma_wait3A_83, %dma_wait3A_84] : memref<819200x64xf32, #tpu.memory_space<hbm>> -> memref<64x64xf32, #tpu.memory_space<hbm>>
    %dma_wait3A_86 = arith.constant 0 : i32
    %dma_wait3A_87 = arith.constant 0 : i32
    %dma_wait3A_88 = tpu.memref_slice %arg9[%dma_wait3A, %dma_wait3A_86, %dma_wait3A_87] : memref<2x64x64xf32, #tpu.memory_space<vmem>> -> memref<1x64x64xf32, #tpu.memory_space<vmem>>
    %dma_wait3A_89 = tpu.memref_squeeze %dma_wait3A_88 : memref<1x64x64xf32, #tpu.memory_space<vmem>> -> memref<64x64xf32, #tpu.memory_space<vmem>>
    tpu.wait_dma2 semaphore(%dma_wait3A_82 : memref<!tpu.dma_semaphore, #tpu.memory_space<semaphore_mem>>) src(%dma_wait3A_89 : memref<64x64xf32, #tpu.memory_space<vmem>>) dst(%dma_wait3A_85 : memref<64x64xf32, #tpu.memory_space<hbm>>)
    %dma_wait3A_90 = arith.constant 1 : i32
    %dma_wait3A_91 = arith.constant 1 : i32
    %dma_wait3A_92 = arith.constant 0 : i32
    %dma_wait3A_93 = arith.constant 0 : i32
    %dma_wait3A_94 = tpu.memref_slice %arg9[%dma_wait3A_90, %dma_wait3A_92, %dma_wait3A_93] : memref<2x64x64xf32, #tpu.memory_space<vmem>> -> memref<1x64x64xf32, #tpu.memory_space<vmem>>
    %dma_wait3A_95 = tpu.memref_squeeze %dma_wait3A_94 : memref<1x64x64xf32, #tpu.memory_space<vmem>> -> memref<64x64xf32, #tpu.memory_space<vmem>>
    %dma_wait3A_96 = arith.constant 0 : i32
    %dma_wait3A_97 = arith.constant 0 : i32
    %dma_wait3A_98 = tpu.memref_slice %arg5[%dma_wait3A_96, %dma_wait3A_97] : memref<819200x64xf32, #tpu.memory_space<hbm>> -> memref<64x64xf32, #tpu.memory_space<hbm>>
    %dma_wait3A_99 = tpu.memref_slice %arg11[%dma_wait3A_91] : memref<2x!tpu.dma_semaphore, #tpu.memory_space<semaphore_mem>> -> memref<1x!tpu.dma_semaphore, #tpu.memory_space<semaphore_mem>>
    %dma_wait3A_100 = tpu.memref_squeeze %dma_wait3A_99 : memref<1x!tpu.dma_semaphore, #tpu.memory_space<semaphore_mem>> -> memref<!tpu.dma_semaphore, #tpu.memory_space<semaphore_mem>>
    %dma_wait3A_101 = arith.constant 0 : i32
    %dma_wait3A_102 = arith.constant 0 : i32
    %dma_wait3A_103 = tpu.memref_slice %arg5[%dma_wait3A_101, %dma_wait3A_102] : memref<819200x64xf32, #tpu.memory_space<hbm>> -> memref<64x64xf32, #tpu.memory_space<hbm>>
    %dma_wait3A_104 = arith.constant 0 : i32
    %dma_wait3A_105 = arith.constant 0 : i32
    %dma_wait3A_106 = tpu.memref_slice %arg9[%dma_wait3A_90, %dma_wait3A_104, %dma_wait3A_105] : memref<2x64x64xf32, #tpu.memory_space<vmem>> -> memref<1x64x64xf32, #tpu.memory_space<vmem>>
    %dma_wait3A_107 = tpu.memref_squeeze %dma_wait3A_106 : memref<1x64x64xf32, #tpu.memory_space<vmem>> -> memref<64x64xf32, #tpu.memory_space<vmem>>
    tpu.wait_dma2 semaphore(%dma_wait3A_100 : memref<!tpu.dma_semaphore, #tpu.memory_space<semaphore_mem>>) src(%dma_wait3A_107 : memref<64x64xf32, #tpu.memory_space<vmem>>) dst(%dma_wait3A_103 : memref<64x64xf32, #tpu.memory_space<hbm>>)
    return
  }
}

</mosaic_0001>

<sc_bundles>
// kernel: kernel.3.cloned.1.call-start
scs
__scs_entry_jumppad:
0x0: {  	(pc) =	sbr.rel $0x88, $3  }
0x1: {  	(tag) =	ssettag $0x0;
	lr =	simm.s32 $0x1  }
0x2: {  	[smem:$0x3F9E] =	sst lr;
	_ =	strace $0xD0000000  }
0x3: {  	_ = 	snop  }
0x4: {  	_ = 	snop  }
0x5: {  	_ = 	snop  }
0x6: {  	_ = 	snop  }
0x7: {  	_ = 	snop  }
__scs_overlays_trampoline_lowered:
0x8: {  	[smem:$0x3FAD] =	sst s0  }
0x9: {  	[smem:$0x3FAE] =	sst s1  }
0xa: {  	[smem:$0x3FAF] =	sst s2  }
0xb: {  	[smem:$0x3FB0] =	sst s3  }
0xc: {  	[smem:$0x3FB1] =	sst s4  }
0xd: {  	[smem:$0x3FB2] =	sst s5  }
0xe: {  	[smem:$0x3FB3] =	sst s6  }
0xf: {  	[smem:$0x3FB4] =	sst s7  }
0x10: {  	[smem:$0x3FB5] =	sst s8  }
0x11: {  	[smem:$0x3FB6] =	sst s9;
	s0 =	simm.s32 @!p0 $0x0  }
0x12: {  	s1 =	sld [smem:$0x3F9C];
	s0 =	simm.s32 @p0 $0x1  }
0x13: {  	[smem:$0x3FB7] =	sst s0;
	s0 =	simm.s32 @!p1 $0x0  }
0x14: {  	s2 =	sld [smem:$0x3F9B];
	s0 =	simm.s32 @p1 $0x1  }
0x15: {  	[smem:$0x3FB8] =	sst s0;
	s0 =	simm.s32 @!p2 $0x0  }
0x16: {  	s3 =	sld [smem:$0x3FDB];
	s0 =	simm.s32 @p2 $0x1  }
0x17: {  	s4 =	simm.s32 $0x1BF5;
	[smem:$0x3FBA] =	sst s0  }
0x18: {  	s0 =	sld [smem:$0x3F9D];
	_ =	swait.ge [sflag:s4], $0x0  }
0x19: {  	s7 =	sld [smem:$0x3F9E]  }
0x1a: {  	s8 =	sadd.s32 $0xFFFFE003, lr  }
0x1b: {  	s9 =	sadd.s32 $0xFFFFFEF7, lr;
	s5 =	simm.s32 $0xFFFFFFFF;
	p2 =	slt.u32 s8, $0xFFFFF086  }
0x1c: {  	p1 =	slt.u32 s9, $0xF7A;
	s5 =	simm.s32 @!p2 $0x0  }
0x1d: {  	s5 =	simm.s32 @p1 $0x1;
	p0 =	seq.s32 s7, s2  }
0x1e: {  	s7 =	smul.u32 @!p0 $0xF7A, s2;
	p2 =	seq.s32 @!p0 s5, $0x0  }
0x1f: {  	s9 =	smul.u32 $0xF7A, s1;
	s8 =	simm.s32 @!p0 $0x1BF5;
	p2 =	por !p2, p0  }
0x20: {  	[sflag:s8] =	ssyncset.s32 @!p0 $0xFFFFF086;
	s6 =	sadd.s32 @!p0 s3, s7;
	s7 =	simm.s32 @!p0 $0x108  }
0x21: {  	s3 =	sadd.s32 s3, s9;
	s6 =	sadd.s32 @!p0 $0x88, s6;
	s7 =	simm.s32 @p2 $0x1082  }
0x22: {  	[simem:s7], [sflag:s8] =	dma.local @!p0 [hbm:s6], $0xF7A  }
0x23: {  	s9 =	sor.u32 $0xD0000000, s2;
	s6 =	simm.s32 $0x108;
	_ =	swait.ge @!p0 [sflag:s8], $0x0  }
0x24: {  	s3 =	sadd.s32 $0x88, s3;
	s6 =	simm.s32 @!p1 $0x1082;
	[sflag:s4] =	ssyncset.s32 $0xFFFFF086  }
0x25: {  	[simem:s6], [sflag:s4] =	dma.local [hbm:s3], $0xF7A  }
0x26: {  	[smem:$0x3F9E] =	sst s1;
	(tag) =	ssettag s2;
	_ =	strace s9  }
0x27: {  	s1 =	sld [smem:$0x3FAE]  }
0x28: {  	s2 =	sld [smem:$0x3FAF]  }
0x29: {  	s4 =	sld [smem:$0x3FB1]  }
0x2a: {  	p0 =	seq.s32 s5, $0x0;
	s5 =	sld [smem:$0x3FB2]  }
0x2b: {  	s6 =	sld [smem:$0x3FB3]  }
0x2c: {  	s7 =	sld [smem:$0x3FB4]  }
0x2d: {  	s3 =	simm.s32 $0x108;
	s8 =	sld [smem:$0x3FB5]  }
0x2e: {  	s3 =	simm.s32 @!p0 $0x1082;
	s9 =	sld [smem:$0x3FB6]  }
0x2f: {  	lr =	sadd.s32 s0, s3;
	s0 =	sld [smem:$0x3FAD]  }
0x30: {  	s3 =	sld [smem:$0x3FB0]  }
0x31: {  	[smem:$0x3FB9] =	sst s10  }
0x32: {  	s10 =	sld [smem:$0x3FB7];
	_ =	sdelay $0x3  }
0x33: {  	p0 =	seq.s32 s10, $0x1;
	s10 =	sld [smem:$0x3FB9];
	_ =	sdelay $0x3  }
0x34: {  	[smem:$0x3FB9] =	sst s10  }
0x35: {  	s10 =	sld [smem:$0x3FB8];
	_ =	sdelay $0x3  }
0x36: {  	p1 =	seq.s32 s10, $0x1;
	s10 =	sld [smem:$0x3FB9];
	_ =	sdelay $0x3  }
0x37: {  	[smem:$0x3FB9] =	sst s10  }
0x38: {  	s10 =	sld [smem:$0x3FBA]  }
0x39: {  	_ = 	snop;
	(pc) =	sbr.ind lr, $3  }
0x3a: {  	_ = 	snop  }
0x3b: {  	_ = 	snop  }
0x3c: {  	p2 =	seq.s32 s10, $0x1;
	s10 =	sld [smem:$0x3FB9]  }
0x3d: {  	_ =	shalt  }
0x3e: {  	_ =	shalt  }
0x3f: {  	_ =	shalt  }
0x40: {  	_ =	shalt  }
0x41: {  	_ =	shalt  }
0x42: {  	_ =	shalt  }
0x43: {  	_ =	shalt  }
0x44: {  	_ =	shalt  }
0x45: {  	_ =	shalt  }
0x46: {  	_ =	shalt  }
0x47: {  	_ =	shalt  }
0x48: {  	_ =	shalt  }
0x49: {  	_ =	shalt  }
0x4a: {  	_ =	shalt  }
0x4b: {  	_ =	shalt  }
0x4c: {  	_ =	shalt  }
0x4d: {  	_ =	shalt  }
0x4e: {  	_ =	shalt  }
0x4f: {  	_ =	shalt  }
0x50: {  	_ =	shalt  }
0x51: {  	_ =	shalt  }
0x52: {  	_ =	shalt  }
0x53: {  	_ =	shalt  }
0x54: {  	_ =	shalt  }
0x55: {  	_ =	shalt  }
0x56: {  	_ =	shalt  }
0x57: {  	_ =	shalt  }
0x58: {  	_ =	shalt  }
0x59: {  	_ =	shalt  }
0x5a: {  	_ =	shalt  }
0x5b: {  	_ =	shalt  }
0x5c: {  	_ =	shalt  }
0x5d: {  	_ =	shalt  }
0x5e: {  	_ =	shalt  }
0x5f: {  	_ =	shalt  }
0x60: {  	_ =	shalt  }
0x61: {  	_ =	shalt  }
0x62: {  	_ =	shalt  }
0x63: {  	_ =	shalt  }
0x64: {  	_ =	shalt  }
0x65: {  	_ =	shalt  }
0x66: {  	_ =	shalt  }
0x67: {  	_ =	shalt  }
0x68: {  	_ =	shalt  }
0x69: {  	_ =	shalt  }
0x6a: {  	_ =	shalt  }
0x6b: {  	_ =	shalt  }
0x6c: {  	_ =	shalt  }
0x6d: {  	_ =	shalt  }
0x6e: {  	_ =	shalt  }
0x6f: {  	_ =	shalt  }
0x70: {  	_ =	shalt  }
0x71: {  	_ =	shalt  }
0x72: {  	_ =	shalt  }
0x73: {  	_ =	shalt  }
0x74: {  	_ =	shalt  }
0x75: {  	_ =	shalt  }
0x76: {  	_ =	shalt  }
0x77: {  	_ =	shalt  }
0x78: {  	_ =	shalt  }
0x79: {  	_ =	shalt  }
0x7a: {  	_ =	shalt  }
0x7b: {  	_ =	shalt  }
0x7c: {  	_ =	shalt  }
0x7d: {  	_ =	shalt  }
0x7e: {  	_ =	shalt  }
0x7f: {  	_ =	shalt  }
0x80: {  	_ =	shalt  }
0x81: {  	_ =	shalt  }
0x82: {  	_ =	shalt  }
0x83: {  	_ =	shalt  }
0x84: {  	_ =	shalt  }
0x85: {  	_ =	shalt  }
0x86: {  	_ =	shalt  }
0x87: {  	_ =	shalt  }
.Lfunc_end0:
.L_simem_size_0:
called_computation.1_lowered:
.L_overlay_start_0:
0x88: {  	s2 =	sld [smem:$0x3FD9]  }
0x89: {  	s3 =	sld [smem:$0x3FFE];
	_ =	sdelay $0x1  }
0x8a: {  	s1 =	srdreg.scid  }
0x8b: {  	s0 =	sand.u32 $0x1, s1  }
0x8c: {  	s16 =	sshll.u32 s0, $0xA;
	s2 =	sadd.s32 s3, s2  }
0x8d: {  	s2 =	sadd.s32 s2, s16  }
0x8e: {  	[smem:$0x3FC5] =	sst s2  }
0x8f: {  	_ = 	snop  }
0x90: {  	(tm) =	ssettm $0x1  }
0x91: {  	s17 =	sld [smem:$0x3FFB];
	_ =	sdelay $0x3  }
0x92: {  	_ =	strace s17  }
0x93: {  	s2 =	sld [smem:$0x3FFC];
	_ =	sdelay $0x3  }
0x94: {  	_ =	strace s2  }
0x95: {  	s2 =	sld [smem:$0x3FFD];
	_ =	sdelay $0x3  }
0x96: {  	_ =	strace s2  }
0x97: {  	_ =	strace $0x8FFFFFFF  }
0x98: {  	s18 =	sld [smem:$0x3FDB];
	_ =	sdelay $0x1  }
0x99: {  	s19 =	simm.s32 $_scs_section_size  }
0x9a: {  	s4 =	simm.s32 $_size__tile_overlayer_lowered;
	s5 =	simm.s32 $_tile_overlayer_lowered  }
0x9b: {  	s22 =	simm.s32 $0x1BFF;
	s21 =	sshll.u32 s5, $0x1;
	s2 =	sadd.s32 s19, s18  }
0x9c: {  	s6 =	simm.s32 $0x0;
	s20 =	sshll.u32 s4, $0x1;
	s4 =	sadd.s32 s21, s2  }
0x9d: {  	[timem:s6], [sflag:s22] =	dma.local [hbm:s4], s20  }
0x9e: {  	_ =	swait.ge [sflag:s22], s20  }
0x9f: {  	s3 =	ssub.s32 $0x0, s20;
	[sflag:s22] =	ssyncset.done $0x0  }
0xa0: {  	[sflag:s22] =	ssyncadd.s32 s3;
	_ =	sdelay $0x1  }
0xa1: {  	s23 =	simm.s32 $0x1B8B  }
0xa2: {  	_ =	swait.ge [sflag:s23], $0x1  }
0xa3: {  	[sflag:s23] =	ssyncset.done $0x0  }
0xa4: {  	s25 =	simm.s32 $0x1B8E;
	s24 =	sld [smem:$0x3FFE];
	[sflag:s23] =	ssyncadd.s32 $0xFFFFFFFF  }
0xa5: {  	s26 =	simm.s32 $execute0_lowered;
	[smem:$0x3FD2] =	sst s25  }
0xa6: {  	s4 =	sshll.u32 s26, $0x1;
	_ =	strace $0x80000046;
	[dreg:$0x1] =	wrdreg $0xFFFFFFFF  }
0xa7: {  	s28 =	simm.s32 $_size_execute0_lowered;
	s2 =	sadd.s32 s2, s4;
	[dreg:$0x0] =	wrdreg $0x0  }
0xa8: {  	s4 =	sshll.u32 s28, $0x1;
	[dreg:$0x2] =	wrdreg s2  }
0xa9: {  	[dreg:$0x3] =	wrdreg s4  }
0xaa: {  	[dreg:$0x4] =	wrdreg $0xC0  }
0xab: {  	_ =	task [dreg:s6], $0x5FFFF  }
0xac: {  	[dreg:$0x1] =	wrdreg $0xFFFFFFFF  }
0xad: {  	[dreg:$0x0] =	wrdreg $0x60  }
0xae: {  	[dreg:$0x2] =	wrdreg s24  }
0xaf: {  	[dreg:$0x3] =	wrdreg $0x9  }
0xb0: {  	_ =	task.clear_ibuf [dreg:s6], $0x4FFFF;
	_ =	strace $0x90000046  }
0xb1: {  	s29 =	simm.s32 $0x9;
	_ =	strace $0x80000048  }
0xb2: {  	_ =	swait.ge [sflag:s29], $0x1  }
0xb3: {  	[sflag:s29] =	ssyncadd.s32 $0xFFFFFFFF  }
0xb4: {  	_ =	strace $0x90000048  }
0xb5: {  	_ =	sfence  }
0xb6: {  	s30 =	sld [smem:$0x0];
	_ =	sdelay $0x2  }
0xb7: {  	s31 =	sshll.u32 s1, $0xD;
	s1 =	sshrl.u32 s1, $0x2  }
0xb8: {  	s3 =	sand.u32 $0x4000, s31;
	s1 =	sadd.s32 s1, s30  }
0xb9: {  	s0 =	sor.u32 s3, s0;
	s1 =	sshll.u32 s1, $0x11  }
0xba: {  	s0 =	sor.u32 s1, s0  }
0xbb: {  	s0 =	sadd.s32 $0x8F2B, s0  }
0xbc: {  	[sflag:s0] =	ssyncadd.remote.s32 $0x1  }
0xbd: {  	_ =	sfence.sel $0xFFFF  }
0xbe: {  	[dreg:$0x0] =	wrdreg $0xFFFFFFFF;
	(pc) =	sbr.abs _section_cstart, $3  }
0xbf: {  	[dreg:$0x1] =	wrdreg $0xFFFFFFFF  }
0xc0: {  	_ =	task.clear_ibuf [dreg:s6], $0x2FFFF;
	_ =	strace $0x9FFFFFFF  }
0xc1: {  	(tm) =	ssettm $0x7FFFFFFF  }
tec
execute0_lowered:
.L_overlay_start_1:
0x0: {  	(tag) =	ssettag $0x1  }
0x1: {  	s0 =	rddreg [dreg:$0x0];
	s2 =	simm.s32 $0x0  }
0x2: {  	s1 =	srdreg.scid;
	s3 =	stileid.u32;
	s11 =	simm.s32 $0x6  }
0x3: {  	s14 =	simm.s32 $0x6C00;
	s16 =	simm.s32 $0x7C00;
	s21 =	simm.s32 $0x1  }
0x4: {  	s22 =	simm.s32 $0xAC00;
	s23 =	simm.s32 $0x5;
	s24 =	simm.s32 $0x20  }
0x5: {  	s25 =	simm.s32 $0x2;
	s28 =	simm.s32 $0x3;
	s29 =	simm.s32 $0x4  }
0x6: {  	s30 =	simm.s32 $0x0;
	[smem:$0x7FF] =	sst s2;
	s1 =	sand.u32 $0x1, s1  }
0x7: {  	s4 =	sshll.u32 s3, $0x1;
	s3 =	sadd.s32 $0x1000, s0;
	s5 =	sadd.s32 $0x800, s0  }
.Ltmp0:
0x8: {  	s6 =	sadd.s32 $0x1A0A00, s0;
	s9 =	sor.u32 s1, s4;
	(pc) =	sbr.rel .LBB2_1-.Ltmp0, $4  }
0x9: {  	_ =	strace $0x80000047;
	s1 =	ssub.s32 $0x2, s1;
	s8 =	smul.u32 $0xC80, s9  }
0xa: {  	s4 =	sadd.s32 $0x1A000, s0;
	s26 =	sshrl.u32 s1, $0x1;
	s7 =	smul.u32 $0x190, s9  }
0xb: {  	s9 =	smul.u32 $0x19, s9;
	s0 =	ssub.s32 s1, s26;
	s31 =	sadd.s32 s3, s8  }
0xc: {  	s26 =	simm.s32 $0xCC00;
	s10 =	smax.u32 s0, $0x1;
	[dreg:$0x2] =	wrdreg s31  }
.LBB2_11:
0xd: {  	s30 =	sadd.s32 $0x1, s30  }
0xe: {  	_ =	swait.ge [sflag:s28], $0x2000;
	p0 =	sne.s32 s30, s10  }
.Ltmp1:
0xf: {  	[sflag:s28] =	ssyncset.done $0x0;
	(pc) =	sbr.rel @!p0 .LBB2_12-.Ltmp1, $4  }
0x10: {  	[sflag:s28] =	ssyncadd.s32 $0xFFFFE000  }
0x11: {  	_ =	swait.ge [sflag:s29], $0x2000  }
0x12: {  	[sflag:s29] =	ssyncset.done $0x0  }
0x13: {  	[sflag:s29] =	ssyncadd.s32 $0xFFFFE000  }
.LBB2_1:
0x14: {  	[tilespmem:s2], [sflag:$0x6] =	stream.linear.gather [hbm4b:s5+s2], $0x3200, $0x38;
	[tilespmem:$0xEC00] =	vst v63  }
0x15: {  	_ =	swait.ge [sflag:s11], $0x3200  }
0x16: {  	[sflag:s11] =	ssyncset.done $0x0  }
0x17: {  	s0 =	simm.s32 $0x3200;
	[sflag:s11] =	ssyncadd.s32 $0xFFFFCE00  }
0x18: {  	[tilespmem:s0], [sflag:$0x6] =	stream.linear.gather [hbm4b:s5+s2], $0x3200, $0x38;
	[tilespmem:$0xEC00] =	vst v63  }
0x19: {  	_ =	swait.ge [sflag:s11], $0x3200  }
0x1a: {  	[sflag:s11] =	ssyncset.done $0x0  }
0x1b: {  	s1 =	simm.s32 $0x6400;
	s13 =	rddreg [dreg:$0x2];
	[sflag:s11] =	ssyncadd.s32 $0xFFFFCE00  }
0x1c: {  	[tilespmem:s1], [sflag:$0x6] =	stream.linear.gather [hbm4b:s13+s2], $0x400, $0x38;
	[tilespmem:$0xEC00] =	vst v63  }
0x1d: {  	_ =	swait.ge [sflag:s11], $0x400  }
0x1e: {  	[sflag:s11] =	ssyncset.done $0x0  }
0x1f: {  	s15 =	simm.s32 $0x6420;
	[sflag:s11] =	ssyncadd.s32 $0xFFFFFC00  }
0x20: {  	[tilespmem:s14], [sflag:$0x1] =	stream.indirect.gather [hbm4b:s4+s24], $0x80, s1, s24, $0xb8;
	[tilespmem:$0xEC00] =	vst v63  }
0x21: {  	s17 =	simm.s32 $0x6440;
	s18 =	simm.s32 $0x8C00;
	s19 =	simm.s32 $0x6460  }
0x22: {  	[tilespmem:s16], [sflag:$0x1] =	stream.indirect.gather [hbm4b:s4+s24], $0x80, s15, s24, $0xb8;
	[tilespmem:$0xEC00] =	vst v63  }
0x23: {  	s20 =	simm.s32 $0x9C00;
	s31 =	simm.s32 $0x20;
	s12 =	simm.s32 $0x0  }
0x24: {  	[tilespmem:s18], [sflag:$0x2] =	stream.indirect.gather [hbm4b:s4+s24], $0x80, s17, s24, $0xb8;
	[tilespmem:$0xEC00] =	vst v63  }
0x25: {  	s0 =	simm.s32 $0x0;
	s1 =	simm.s32 $0x0;
	s15 =	simm.s32 $0x0  }
0x26: {  	[tilespmem:s20], [sflag:$0x2] =	stream.indirect.gather [hbm4b:s4+s24], $0x80, s19, s24, $0xb8;
	[tilespmem:$0xEC00] =	vst v63  }
.LBB2_2:
0x27: {  	_ =	swait.ge [sflag:s21], $0x2000  }
0x28: {  	p1 =	seq.s32 s15, $0x0;
	[sflag:s21] =	ssyncset.done $0x0  }
0x29: {  	s13 =	simm.s32 @!p1 $0x3;
	[sflag:s21] =	ssyncadd.s32 $0xFFFFE000  }
0x2a: {  	_ =	swait.ge @!p1 [sflag:s13], $0x2000  }
0x2b: {  	[sflag:s13] =	ssyncset.done @!p1 $0x0  }
0x2c: {  	s19 =	simm.s32 $0x0;
	[sflag:s13] =	ssyncadd.s32 @!p1 $0xFFFFE000  }
0x2d: {  	v13 =	vld [tilespmem:s19+$0x6C00]  }
0x2e: {  	v14 =	vld [tilespmem:s19+$0x6C10]  }
0x2f: {  	v21 =	vld [tilespmem:s19+$0x6C20]  }
0x30: {  	v7 =	vld [tilespmem:s19+$0x6C30]  }
0x31: {  	v8 =	vld [tilespmem:s19+$0x6C80]  }
0x32: {  	v9 =	vld [tilespmem:s19+$0x6C90]  }
0x33: {  	s17 =	sand.u32 $0xFFFC, s1;
	v10 =	vld [tilespmem:s19+$0x6CA0]  }
0x34: {  	s13 =	sshrl.u32 s17, $0x2;
	v11 =	vld [tilespmem:s19+$0x6CB0]  }
0x35: {  	s13 =	smul.u32 $0x147B, s13;
	v6 =	vld [tilespmem:s19+$0x6D00]  }
0x36: {  	v5 =	vld [tilespmem:s19+$0x6D10]  }
0x37: {  	v4 =	vld [tilespmem:s19+$0x6D20];
	s13 =	sshrl.u32 s13, $0x11  }
0x38: {  	v3 =	vld [tilespmem:s19+$0x6D30];
	s13 =	smul.u32 $0x3200, s13  }
0x39: {  	v2 =	vld [tilespmem:s19+$0x6D80]  }
0x3a: {  	v1 =	vld [tilespmem:s19+$0x6D90];
	s13 =	ssub.s32 s12, s13  }
0x3b: {  	v0 =	vld [tilespmem:s19+$0x6DA0];
	s13 =	sand.u32 $0xFFFF, s13  }
0x3c: {  	v12 =	vld [tilespmem:s19+$0x6DB0];
	s20 =	sadd.s32 $0x80, s13  }
0x3d: {  	v15 =	vld [tilespmem:s20+$0xFFFFFF80]  }
0x3e: {  	s18 =	smulhi.u32 $0x51EB851F, s31;
	v20 =	vld [tilespmem:s20+$0xFFFFFF90]  }
0x3f: {  	v22 =	vld [tilespmem:s20+$0xFFFFFFA0]  }
0x40: {  	s13 =	sshrl.u32 s18, $0x5;
	v19 =	vld [tilespmem:s20+$0xFFFFFFB0]  }
0x41: {  	s13 =	smul.u32 $0xFFFF3800, s13;
	v18 =	vld [tilespmem:s20+$0xFFFFFFC0]  }
0x42: {  	v16 =	vld [tilespmem:s20+$0xFFFFFFD0]  }
0x43: {  	v17 =	vld [tilespmem:s20+$0xFFFFFFE0];
	s13 =	sshra.s32 s13, $0x2;
	v13 =	vadd.f32 v15, v13  }
0x44: {  	s17 =	sshll.u32 s15, $0x1;
	s18 =	sadd.s32 s13, s0;
	s13 =	simm.s32 $0x800;
	v15 =	vadd.f32 v20, v14;
	v20 =	vld [tilespmem:s20+$0xFFFFFFF0];
	v14 =	vadd.f32 v22, v21  }
.LBB2_3:
0x45: {  	p0 =	sne.s32 s13, $0x7800;
	v21 =	vld [tilespmem:s20+$0x70];
	v19 =	vadd.f32 v19, v7  }
0x46: {  	v7 =	vld [tilespmem:s20+$0x0];
	v18 =	vadd.f32 v18, v8  }
0x47: {  	v8 =	vld [tilespmem:s20+$0x10];
	v16 =	vadd.f32 v16, v9  }
0x48: {  	v9 =	vld [tilespmem:s20+$0x20];
	v17 =	vadd.f32 v17, v10  }
0x49: {  	v10 =	vld [tilespmem:s20+$0x30];
	v20 =	vadd.f32 v20, v11  }
0x4a: {  	v11 =	vld [tilespmem:s20+$0x40];
	v12 =	vadd.f32 v21, v12  }
0x4b: {  	v21 =	vld [tilespmem:s20+$0x50];
	v22 =	vadd.f32 v7, v6  }
0x4c: {  	s8 =	sshra.s32 s13, $0x2;
	v6 =	vld [tilespmem:s20+$0x60];
	v23 =	vadd.f32 v8, v5;
	[tilespmem:s19+$0xADB0] =	vst v12  }
0x4d: {  	v24 =	vld [tilespmem:s8+$0x6C00];
	[tilespmem:s19+$0xAC00] =	vst v13;
	v12 =	vadd.f32 v9, v4  }
0x4e: {  	v25 =	vld [tilespmem:s8+$0x6C10];
	[tilespmem:s19+$0xAC10] =	vst v15;
	v13 =	vadd.f32 v10, v3  }
0x4f: {  	v26 =	vld [tilespmem:s8+$0x6C20];
	[tilespmem:s19+$0xAC20] =	vst v14;
	v14 =	vadd.f32 v11, v2  }
0x50: {  	v7 =	vld [tilespmem:s8+$0x6C30];
	[tilespmem:s19+$0xAC30] =	vst v19;
	v15 =	vadd.f32 v21, v1  }
0x51: {  	v8 =	vld [tilespmem:s8+$0x6C80];
	[tilespmem:s19+$0xAC80] =	vst v18;
	v18 =	vadd.f32 v6, v0  }
0x52: {  	v9 =	vld [tilespmem:s8+$0x6C90];
	[tilespmem:s19+$0xAC90] =	vst v16  }
0x53: {  	v10 =	vld [tilespmem:s8+$0x6CA0];
	[tilespmem:s19+$0xACA0] =	vst v17  }
0x54: {  	v11 =	vld [tilespmem:s8+$0x6CB0];
	[tilespmem:s19+$0xACB0] =	vst v20  }
0x55: {  	v6 =	vld [tilespmem:s8+$0x6D00];
	[tilespmem:s19+$0xAD00] =	vst v22  }
0x56: {  	v5 =	vld [tilespmem:s8+$0x6D10];
	[tilespmem:s19+$0xAD10] =	vst v23  }
0x57: {  	v4 =	vld [tilespmem:s8+$0x6D20];
	[tilespmem:s19+$0xAD20] =	vst v12  }
0x58: {  	v3 =	vld [tilespmem:s8+$0x6D30];
	[tilespmem:s19+$0xAD30] =	vst v13  }
0x59: {  	v2 =	vld [tilespmem:s8+$0x6D80];
	[tilespmem:s19+$0xAD80] =	vst v14  }
0x5a: {  	v1 =	vld [tilespmem:s8+$0x6D90];
	[tilespmem:s19+$0xAD90] =	vst v15  }
0x5b: {  	v0 =	vld [tilespmem:s8+$0x6DA0];
	[tilespmem:s19+$0xADA0] =	vst v18;
	s19 =	smov.u32 s8  }
0x5c: {  	s20 =	sadd.s32 $0x100, s20;
	v12 =	vld [tilespmem:s19+$0x6DB0]  }
0x5d: {  	v13 =	vld [tilespmem:s20+$0xFFFFFF80]  }
0x5e: {  	v14 =	vld [tilespmem:s20+$0xFFFFFF90]  }
0x5f: {  	v21 =	vld [tilespmem:s20+$0xFFFFFFA0]  }
.Ltmp2:
0x60: {  	v19 =	vld [tilespmem:s20+$0xFFFFFFB0];
	(pc) =	sbr.rel @p0 .LBB2_3-.Ltmp2, $4  }
0x61: {  	v18 =	vld [tilespmem:s20+$0xFFFFFFC0]  }
0x62: {  	v16 =	vld [tilespmem:s20+$0xFFFFFFD0];
	v13 =	vadd.f32 v13, v24  }
0x63: {  	v17 =	vld [tilespmem:s20+$0xFFFFFFE0];
	v15 =	vadd.f32 v14, v25  }
0x64: {  	s13 =	sadd.s32 $0x800, s13;
	v20 =	vld [tilespmem:s20+$0xFFFFFFF0];
	v14 =	vadd.f32 v21, v26  }
0x65: {  	v21 =	vld [tilespmem:s20+$0x70]  }
0x66: {  	v22 =	vld [tilespmem:s20+$0x0]  }
0x67: {  	v23 =	vld [tilespmem:s20+$0x10]  }
0x68: {  	v24 =	vld [tilespmem:s20+$0x20]  }
0x69: {  	v25 =	vld [tilespmem:s20+$0x30]  }
0x6a: {  	v26 =	vld [tilespmem:s20+$0x40]  }
0x6b: {  	v61 =	vld [tilespmem:s20+$0x50]  }
0x6c: {  	v27 =	vld [tilespmem:s20+$0x60];
	[tilespmem:s19+$0xAC00] =	vst v13  }
0x6d: {  	v7 =	vadd.f32 v19, v7;
	[tilespmem:s19+$0xAC10] =	vst v15  }
0x6e: {  	v8 =	vadd.f32 v18, v8;
	[tilespmem:s19+$0xAC20] =	vst v14  }
0x6f: {  	v9 =	vadd.f32 v16, v9;
	[tilespmem:s19+$0xAC30] =	vst v7  }
0x70: {  	v62 =	vadd.f32 v17, v10;
	[tilespmem:s19+$0xAC80] =	vst v8  }
0x71: {  	v63 =	vadd.f32 v20, v11;
	[tilespmem:s19+$0xAC90] =	vst v9  }
0x72: {  	v12 =	vadd.f32 v21, v12;
	[tilespmem:s19+$0xACA0] =	vst v62  }
0x73: {  	v6 =	vadd.f32 v22, v6;
	[tilespmem:s19+$0xACB0] =	vst v63  }
0x74: {  	v5 =	vadd.f32 v23, v5;
	[tilespmem:s19+$0xADB0] =	vst v12  }
0x75: {  	v4 =	vadd.f32 v24, v4;
	[tilespmem:s19+$0xAD00] =	vst v6  }
0x76: {  	v3 =	vadd.f32 v25, v3;
	[tilespmem:s19+$0xAD10] =	vst v5  }
0x77: {  	v2 =	vadd.f32 v26, v2;
	[tilespmem:s19+$0xAD20] =	vst v4  }
0x78: {  	v1 =	vadd.f32 v61, v1;
	[tilespmem:s19+$0xAD30] =	vst v3  }
0x79: {  	s8 =	sadd.s32 s7, s17;
	v0 =	vadd.f32 v27, v0;
	[tilespmem:s19+$0xAD80] =	vst v2  }
0x7a: {  	s8 =	sshll.u32 s8, $0xA;
	[tilespmem:s19+$0xAD90] =	vst v1  }
0x7b: {  	s8 =	sadd.s32 s6, s8;
	[tilespmem:s19+$0xADA0] =	vst v0  }
0x7c: {  	[hbm4b:s8+s2] =	stream.linear.scatter [tilespmem:s22], [sflag:$0x3], $0x2000, $0x38;
	[tilespmem:$0xEC00] =	vst v63  }
0x7d: {  	p0 =	sgt.u32 s15, $0xBF;
	s8 =	sand.u32 $0x7, s15  }
0x7e: {  	p2 =	sne.s32 @!p0 s8, $0x0  }
0x7f: {  	p0 =	por p2, p0  }
0x80: {  	s8 =	sshrl.u32 @!p0 s15, $0x3  }
0x81: {  	s8 =	sadd.s32 @!p0 $0x1, s8  }
0x82: {  	s13 =	sadd.s32 @!p0 s9, s8  }
0x83: {  	s8 =	sshll.u32 @!p0 s8, $0xA;
	s13 =	sshll.u32 @!p0 s13, $0x7  }
0x84: {  	s8 =	sand.u32 @!p0 $0x400, s8;
	s13 =	sand.u32 @!p0 $0x1FFFFF80, s13  }
0x85: {  	s19 =	simm.s32 @!p0 $0x0;
	s8 =	sadd.s32 @!p0 $0x6400, s8;
	s13 =	sadd.s32 @!p0 s3, s13  }
0x86: {  	[tilespmem:s8], [sflag:$0x5] =	stream.linear.gather @!p0 [hbm4b:s13+s19], $0x400, $0x38;
	[tilespmem:$0xEC00] =	vst v63  }
0x87: {  	s13 =	sadd.s32 $0x2, s17  }
0x88: {  	p2 =	seq.s32 s15, $0xC7;
	s8 =	sand.u32 $0xE, s13  }
0x89: {  	p0 =	sne.s32 @!p2 s8, $0x0  }
0x8a: {  	p0 =	por p2, p0  }
.Ltmp3:
0x8b: {  	_ = 	snop;
	(pc) =	sbr.rel @p0 .LBB2_6-.Ltmp3, $1  }
0x8c: {  	_ =	sdelay $0x3  }
0x8d: {  	_ =	swait.ge [sflag:s23], $0x400  }
0x8e: {  	[sflag:s23] =	ssyncset.done $0x0  }
0x8f: {  	[sflag:s23] =	ssyncadd.s32 $0xFFFFFC00  }
.LBB2_7:
0x90: {  	s8 =	sshll.u32 s13, $0x6  }
0x91: {  	s8 =	sand.u32 $0x780, s8  }
0x92: {  	s20 =	sadd.s32 $0x6400, s8  }
0x93: {  	[tilespmem:s14], [sflag:$0x1] =	stream.indirect.gather [hbm4b:s4+s24], $0x80, s20, s24, $0xb8;
	[tilespmem:$0xEC00] =	vst v63  }
0x94: {  	p0 =	por $0x0, $0x0;
	s8 =	sadd.s32 $0x6420, s8  }
0x95: {  	[tilespmem:s16], [sflag:$0x1] =	stream.indirect.gather [hbm4b:s4+s24], $0x80, s8, s24, $0xb8;
	[tilespmem:$0xEC00] =	vst v63  }
.LBB2_8:
0x96: {  	_ =	swait.ge [sflag:s25], $0x2000  }
0x97: {  	v0 =	vmov s18;
	[sflag:s25] =	ssyncset.done $0x0  }
0x98: {  	s8 =	simm.s32 @!p1 $0x4;
	[sflag:s25] =	ssyncadd.s32 $0xFFFFE000  }
0x99: {  	_ =	swait.ge @!p1 [sflag:s8], $0x2000  }
0x9a: {  	[sflag:s8] =	ssyncset.done @!p1 $0x0  }
0x9b: {  	s20 =	simm.s32 $0x0;
	[sflag:s8] =	ssyncadd.s32 @!p1 $0xFFFFE000  }
0x9c: {  	v1 =	vld.idx.msk [tilespmem:v0+s20+$0x10E0 ss:$0x1], $0xffff  }
0x9d: {  	s13 =	simm.s32 $0x8DB0;
	v2 =	vld.idx.msk [tilespmem:v0+s20+$0x10F0 ss:$0x1], $0xffff  }
0x9e: {  	v3 =	vld [tilespmem:s13+$0xFFFFFFE0]  }
0x9f: {  	v4 =	vld.idx.msk [tilespmem:v0+s20+$0x10D0 ss:$0x1], $0xffff  }
0xa0: {  	v5 =	vld [tilespmem:s13+$0xFFFFFED0]  }
0xa1: {  	v6 =	vld [tilespmem:s13+$0xFFFFFEE0]  }
0xa2: {  	v7 =	vld [tilespmem:s13+$0xFFFFFEF0]  }
0xa3: {  	v8 =	vld [tilespmem:s13+$0xFFFFFF00]  }
0xa4: {  	v9 =	vld [tilespmem:s13+$0xFFFFFF50]  }
0xa5: {  	v10 =	vld [tilespmem:s13+$0xFFFFFF60]  }
0xa6: {  	v11 =	vld [tilespmem:s13+$0xFFFFFF70]  }
0xa7: {  	v12 =	vld [tilespmem:s13+$0xFFFFFF80]  }
0xa8: {  	v13 =	vld [tilespmem:s13+$0xFFFFFFD0]  }
0xa9: {  	v14 =	vld [tilespmem:s13+$0xFFFFFE50]  }
0xaa: {  	v15 =	vld [tilespmem:s13+$0xFFFFFE70]  }
0xab: {  	v16 =	vld [tilespmem:s13+$0xFFFFFE80]  }
0xac: {  	v17 =	vld [tilespmem:s13+$0xFFFFFE60]  }
0xad: {  	v18 =	vld [tilespmem:s13+$0xFFFFFFF0]  }
0xae: {  	v19 =	vld [tilespmem:s13+$0x0]  }
0xaf: {  	v20 =	vld.idx.msk [tilespmem:v0+s20+$0x1000 ss:$0x1], $0xffff  }
0xb0: {  	v21 =	vld.idx.msk [tilespmem:v0+s20+$0x1010 ss:$0x1], $0xffff  }
0xb1: {  	v22 =	vld.idx.msk [tilespmem:v0+s20+$0x1020 ss:$0x1], $0xffff  }
0xb2: {  	v23 =	vld.idx.msk [tilespmem:v0+s20+$0x1030 ss:$0x1], $0xffff  }
0xb3: {  	v24 =	vld.idx.msk [tilespmem:v0+s20+$0x1040 ss:$0x1], $0xffff  }
0xb4: {  	v25 =	vld.idx.msk [tilespmem:v0+s20+$0x1050 ss:$0x1], $0xffff  }
0xb5: {  	v26 =	vld.idx.msk [tilespmem:v0+s20+$0x1060 ss:$0x1], $0xffff  }
0xb6: {  	v27 =	vld.idx.msk [tilespmem:v0+s20+$0x1070 ss:$0x1], $0xffff  }
0xb7: {  	v28 =	vld.idx.msk [tilespmem:v0+s20+$0x1080 ss:$0x1], $0xffff  }
0xb8: {  	v29 =	vld.idx.msk [tilespmem:v0+s20+$0x1090 ss:$0x1], $0xffff  }
0xb9: {  	v30 =	vld.idx.msk [tilespmem:v0+s20+$0x10A0 ss:$0x1], $0xffff;
	v2 =	vadd.f32 v2, v19  }
0xba: {  	s18 =	simm.s32 $0xCDB0;
	v19 =	vld.idx.msk [tilespmem:v0+s20+$0x10B0 ss:$0x1], $0xffff;
	v14 =	vadd.f32 v20, v14  }
0xbb: {  	v20 =	vld.idx.msk [tilespmem:v0+s20+$0x10C0 ss:$0x1], $0xffff;
	v17 =	vadd.f32 v21, v17;
	[tilespmem:s18+$0x0] =	vst v2  }
0xbc: {  	v5 =	vadd.f32 v24, v5;
	[tilespmem:s18+$0xFFFFFE50] =	vst v14  }
0xbd: {  	v1 =	vadd.f32 v1, v18;
	[tilespmem:s18+$0xFFFFFE60] =	vst v17  }
0xbe: {  	v2 =	vadd.f32 v22, v15;
	[tilespmem:s18+$0xFFFFFED0] =	vst v5  }
0xbf: {  	v14 =	vadd.f32 v23, v16;
	[tilespmem:s18+$0xFFFFFFF0] =	vst v1  }
0xc0: {  	v5 =	vadd.f32 v27, v8;
	[tilespmem:s18+$0xFFFFFE70] =	vst v2  }
0xc1: {  	v2 =	vadd.f32 v25, v6;
	[tilespmem:s18+$0xFFFFFE80] =	vst v14  }
0xc2: {  	v6 =	vadd.f32 v26, v7;
	[tilespmem:s18+$0xFFFFFF00] =	vst v5  }
0xc3: {  	v5 =	vadd.f32 v30, v11;
	[tilespmem:s18+$0xFFFFFEE0] =	vst v2  }
0xc4: {  	v2 =	vadd.f32 v28, v9;
	[tilespmem:s18+$0xFFFFFEF0] =	vst v6  }
0xc5: {  	v6 =	vadd.f32 v29, v10;
	[tilespmem:s18+$0xFFFFFF70] =	vst v5  }
0xc6: {  	[tilespmem:s18+$0xFFFFFF50] =	vst v2;
	v2 =	vadd.f32 v19, v12  }
0xc7: {  	[tilespmem:s18+$0xFFFFFF60] =	vst v6;
	v6 =	vadd.f32 v20, v13  }
0xc8: {  	[tilespmem:s18+$0xFFFFFF80] =	vst v2;
	v2 =	vadd.f32 v4, v3  }
0xc9: {  	[tilespmem:s18+$0xFFFFFFD0] =	vst v6  }
0xca: {  	s20 =	simm.s32 $0x100;
	[tilespmem:s18+$0xFFFFFFE0] =	vst v2  }
0xcb: {  	v6 =	vld.idx.msk [tilespmem:v0+s20+$0x10E0 ss:$0x1], $0xffff  }
0xcc: {  	s19 =	simm.s32 $0x8FB0;
	v12 =	vld.idx.msk [tilespmem:v0+s20+$0x10F0 ss:$0x1], $0xffff  }
0xcd: {  	v1 =	vld [tilespmem:s19+$0xFFFFFFE0]  }
0xce: {  	v2 =	vld.idx.msk [tilespmem:v0+s20+$0x10D0 ss:$0x1], $0xffff  }
0xcf: {  	v13 =	vld [tilespmem:s19+$0xFFFFFED0]  }
0xd0: {  	v11 =	vld [tilespmem:s19+$0xFFFFFEE0]  }
0xd1: {  	v10 =	vld [tilespmem:s19+$0xFFFFFEF0]  }
0xd2: {  	v9 =	vld [tilespmem:s19+$0xFFFFFF00]  }
0xd3: {  	v8 =	vld [tilespmem:s19+$0xFFFFFF50]  }
0xd4: {  	v7 =	vld [tilespmem:s19+$0xFFFFFF60]  }
0xd5: {  	v5 =	vld [tilespmem:s19+$0xFFFFFF70]  }
0xd6: {  	v4 =	vld [tilespmem:s19+$0xFFFFFF80]  }
0xd7: {  	v3 =	vld [tilespmem:s19+$0xFFFFFFD0]  }
0xd8: {  	v16 =	vld [tilespmem:s19+$0xFFFFFE50]  }
0xd9: {  	v15 =	vld [tilespmem:s19+$0xFFFFFE70]  }
0xda: {  	v14 =	vld [tilespmem:s19+$0xFFFFFE80]  }
0xdb: {  	v17 =	vld [tilespmem:s19+$0xFFFFFE60]  }
0xdc: {  	v23 =	vld [tilespmem:s19+$0xFFFFFFF0]  }
0xdd: {  	v18 =	vld [tilespmem:s19+$0x0]  }
0xde: {  	v22 =	vld.idx.msk [tilespmem:v0+s20+$0x1000 ss:$0x1], $0xffff  }
0xdf: {  	v21 =	vld.idx.msk [tilespmem:v0+s20+$0x1010 ss:$0x1], $0xffff  }
0xe0: {  	v20 =	vld.idx.msk [tilespmem:v0+s20+$0x1020 ss:$0x1], $0xffff  }
0xe1: {  	s17 =	sor.u32 $0x1, s17;
	s13 =	simm.s32 $0x800;
	v19 =	vld.idx.msk [tilespmem:v0+s20+$0x1030 ss:$0x1], $0xffff;
	v6 =	vadd.f32 v6, v23  }
.LBB2_9:
0xe2: {  	p1 =	sne.s32 s13, $0x3C00;
	v23 =	vld.idx.msk [tilespmem:v0+s20+$0x1040 ss:$0x1], $0xffff  }
0xe3: {  	v24 =	vld.idx.msk [tilespmem:v0+s20+$0x1050 ss:$0x1], $0xffff  }
0xe4: {  	v16 =	vadd.f32 v22, v16;
	v25 =	vld.idx.msk [tilespmem:v0+s20+$0x1060 ss:$0x1], $0xffff  }
0xe5: {  	v17 =	vadd.f32 v21, v17;
	v22 =	vld.idx.msk [tilespmem:v0+s20+$0x1070 ss:$0x1], $0xffff  }
0xe6: {  	v15 =	vadd.f32 v20, v15;
	v21 =	vld.idx.msk [tilespmem:v0+s20+$0x1080 ss:$0x1], $0xffff  }
0xe7: {  	v14 =	vadd.f32 v19, v14;
	v20 =	vld.idx.msk [tilespmem:v0+s20+$0x1090 ss:$0x1], $0xffff  }
0xe8: {  	v12 =	vadd.f32 v12, v18;
	v13 =	vadd.f32 v23, v13;
	v19 =	vld.idx.msk [tilespmem:v0+s20+$0x10A0 ss:$0x1], $0xffff  }
0xe9: {  	s18 =	sadd.s32 $0x200, s18;
	v11 =	vadd.f32 v24, v11;
	v18 =	vld.idx.msk [tilespmem:v0+s20+$0x10B0 ss:$0x1], $0xffff  }
0xea: {  	v10 =	vadd.f32 v25, v10;
	v23 =	vld.idx.msk [tilespmem:v0+s20+$0x10C0 ss:$0x1], $0xffff;
	[tilespmem:s18+$0x0] =	vst v12  }
0xeb: {  	v9 =	vadd.f32 v22, v9;
	[tilespmem:s18+$0xFFFFFE50] =	vst v16  }
0xec: {  	v8 =	vadd.f32 v21, v8;
	[tilespmem:s18+$0xFFFFFE60] =	vst v17  }
0xed: {  	v7 =	vadd.f32 v20, v7;
	[tilespmem:s18+$0xFFFFFE70] =	vst v15  }
0xee: {  	v5 =	vadd.f32 v19, v5;
	[tilespmem:s18+$0xFFFFFE80] =	vst v14  }
0xef: {  	v4 =	vadd.f32 v18, v4;
	[tilespmem:s18+$0xFFFFFED0] =	vst v13  }
0xf0: {  	v3 =	vadd.f32 v23, v3;
	[tilespmem:s18+$0xFFFFFEE0] =	vst v11  }
0xf1: {  	[tilespmem:s18+$0xFFFFFEF0] =	vst v10  }
0xf2: {  	[tilespmem:s18+$0xFFFFFF00] =	vst v9  }
0xf3: {  	[tilespmem:s18+$0xFFFFFF50] =	vst v8  }
0xf4: {  	[tilespmem:s18+$0xFFFFFF60] =	vst v7  }
0xf5: {  	[tilespmem:s18+$0xFFFFFF70] =	vst v5  }
0xf6: {  	v1 =	vadd.f32 v2, v1;
	[tilespmem:s18+$0xFFFFFF80] =	vst v4  }
0xf7: {  	[tilespmem:s18+$0xFFFFFFD0] =	vst v3  }
0xf8: {  	[tilespmem:s18+$0xFFFFFFE0] =	vst v1  }
0xf9: {  	s20 =	sshra.s32 s13, $0x2;
	[tilespmem:s18+$0xFFFFFFF0] =	vst v6  }
0xfa: {  	v6 =	vld.idx.msk [tilespmem:v0+s20+$0x10E0 ss:$0x1], $0xffff  }
0xfb: {  	s19 =	sadd.s32 $0x200, s19;
	v12 =	vld.idx.msk [tilespmem:v0+s20+$0x10F0 ss:$0x1], $0xffff  }
0xfc: {  	v1 =	vld [tilespmem:s19+$0xFFFFFFE0]  }
0xfd: {  	v2 =	vld.idx.msk [tilespmem:v0+s20+$0x10D0 ss:$0x1], $0xffff  }
0xfe: {  	v13 =	vld [tilespmem:s19+$0xFFFFFED0]  }
0xff: {  	v11 =	vld [tilespmem:s19+$0xFFFFFEE0]  }
0x100: {  	v10 =	vld [tilespmem:s19+$0xFFFFFEF0]  }
0x101: {  	v9 =	vld [tilespmem:s19+$0xFFFFFF00]  }
0x102: {  	v8 =	vld [tilespmem:s19+$0xFFFFFF50]  }
0x103: {  	v7 =	vld [tilespmem:s19+$0xFFFFFF60]  }
0x104: {  	v5 =	vld [tilespmem:s19+$0xFFFFFF70]  }
0x105: {  	v4 =	vld [tilespmem:s19+$0xFFFFFF80]  }
0x106: {  	v3 =	vld [tilespmem:s19+$0xFFFFFFD0]  }
0x107: {  	v16 =	vld [tilespmem:s19+$0xFFFFFE50]  }
0x108: {  	v15 =	vld [tilespmem:s19+$0xFFFFFE70]  }
0x109: {  	v14 =	vld [tilespmem:s19+$0xFFFFFE80]  }
0x10a: {  	v17 =	vld [tilespmem:s19+$0xFFFFFE60]  }
0x10b: {  	v23 =	vld [tilespmem:s19+$0xFFFFFFF0]  }
.Ltmp4:
0x10c: {  	v18 =	vld [tilespmem:s19+$0x0];
	(pc) =	sbr.rel @p1 .LBB2_9-.Ltmp4, $4  }
0x10d: {  	v22 =	vld.idx.msk [tilespmem:v0+s20+$0x1000 ss:$0x1], $0xffff  }
0x10e: {  	v21 =	vld.idx.msk [tilespmem:v0+s20+$0x1010 ss:$0x1], $0xffff  }
0x10f: {  	v20 =	vld.idx.msk [tilespmem:v0+s20+$0x1020 ss:$0x1], $0xffff  }
0x110: {  	s13 =	sadd.s32 $0x400, s13;
	v19 =	vld.idx.msk [tilespmem:v0+s20+$0x1030 ss:$0x1], $0xffff;
	v6 =	vadd.f32 v6, v23  }
0x111: {  	_ =	sdelay $0x3  }
0x112: {  	v23 =	vld.idx.msk [tilespmem:v0+s20+$0x1040 ss:$0x1], $0xffff  }
0x113: {  	v24 =	vld.idx.msk [tilespmem:v0+s20+$0x1050 ss:$0x1], $0xffff  }
0x114: {  	v25 =	vld.idx.msk [tilespmem:v0+s20+$0x1060 ss:$0x1], $0xffff  }
0x115: {  	v26 =	vld.idx.msk [tilespmem:v0+s20+$0x1070 ss:$0x1], $0xffff  }
0x116: {  	v27 =	vld.idx.msk [tilespmem:v0+s20+$0x1080 ss:$0x1], $0xffff  }
0x117: {  	v28 =	vld.idx.msk [tilespmem:v0+s20+$0x1090 ss:$0x1], $0xffff  }
0x118: {  	v29 =	vld.idx.msk [tilespmem:v0+s20+$0x10A0 ss:$0x1], $0xffff  }
0x119: {  	v12 =	vadd.f32 v12, v18;
	v61 =	vld.idx.msk [tilespmem:v0+s20+$0x10B0 ss:$0x1], $0xffff;
	s8 =	sadd.s32 $0x200, s18  }
0x11a: {  	v62 =	vld.idx.msk [tilespmem:v0+s20+$0x10C0 ss:$0x1], $0xffff;
	v1 =	vadd.f32 v2, v1;
	[tilespmem:s8+$0xFFFFFFF0] =	vst v6  }
0x11b: {  	v16 =	vadd.f32 v22, v16;
	[tilespmem:s8+$0x0] =	vst v12  }
0x11c: {  	v17 =	vadd.f32 v21, v17;
	[tilespmem:s8+$0xFFFFFFE0] =	vst v1  }
0x11d: {  	v63 =	vadd.f32 v20, v15;
	[tilespmem:s8+$0xFFFFFE50] =	vst v16  }
0x11e: {  	v14 =	vadd.f32 v19, v14;
	[tilespmem:s8+$0xFFFFFE60] =	vst v17  }
0x11f: {  	v13 =	vadd.f32 v23, v13;
	[tilespmem:s8+$0xFFFFFE70] =	vst v63  }
0x120: {  	v11 =	vadd.f32 v24, v11;
	[tilespmem:s8+$0xFFFFFE80] =	vst v14  }
0x121: {  	v10 =	vadd.f32 v25, v10;
	[tilespmem:s8+$0xFFFFFED0] =	vst v13  }
0x122: {  	v9 =	vadd.f32 v26, v9;
	[tilespmem:s8+$0xFFFFFEE0] =	vst v11  }
0x123: {  	v8 =	vadd.f32 v27, v8;
	[tilespmem:s8+$0xFFFFFEF0] =	vst v10  }
0x124: {  	v7 =	vadd.f32 v28, v7;
	[tilespmem:s8+$0xFFFFFF00] =	vst v9  }
0x125: {  	v5 =	vadd.f32 v29, v5;
	[tilespmem:s8+$0xFFFFFF50] =	vst v8  }
0x126: {  	s13 =	sadd.s32 s7, s17;
	v4 =	vadd.f32 v61, v4;
	[tilespmem:s8+$0xFFFFFF60] =	vst v7  }
0x127: {  	s13 =	sshll.u32 s13, $0xA;
	v0 =	vadd.f32 v62, v3;
	[tilespmem:s8+$0xFFFFFF70] =	vst v5  }
0x128: {  	s13 =	sand.u32 $0x1FFFFC00, s13;
	[tilespmem:s8+$0xFFFFFF80] =	vst v4  }
0x129: {  	s20 =	sadd.s32 s6, s13;
	[tilespmem:s8+$0xFFFFFFD0] =	vst v0;
	s8 =	sshll.u32 @!p0 s15, $0x7  }
0x12a: {  	[hbm4b:s20+s2] =	stream.linear.scatter [tilespmem:s26], [sflag:$0x4], $0x2000, $0x38;
	[tilespmem:$0xEC00] =	vst v63  }
0x12b: {  	s8 =	sadd.s32 @!p0 $0x80, s8  }
0x12c: {  	s8 =	sand.u32 @!p0 $0x780, s8  }
0x12d: {  	s17 =	simm.s32 @!p0 $0x20;
	s18 =	simm.s32 @!p0 $0x8C00;
	s13 =	sadd.s32 @!p0 $0x6440, s8  }
0x12e: {  	[tilespmem:s18], [sflag:$0x2] =	stream.indirect.gather @!p0 [hbm4b:s4+s17], $0x80, s13, s17, $0xb8;
	[tilespmem:$0xEC00] =	vst v63  }
0x12f: {  	s15 =	sadd.s32 $0x1, s15;
	s8 =	sadd.s32 @!p0 $0x6460, s8;
	s13 =	simm.s32 @!p0 $0x9C00  }
0x130: {  	[tilespmem:s13], [sflag:$0x2] =	stream.indirect.gather @!p0 [hbm4b:s4+s17], $0x80, s8, s17, $0xb8;
	[tilespmem:$0xEC00] =	vst v63  }
0x131: {  	p0 =	sne.s32 s15, $0xC8  }
.Ltmp5:
0x132: {  	_ = 	snop;
	(pc) =	sbr.rel @p0 .LBB2_2-.Ltmp5, $4  }
.Ltmp6:
0x133: {  	_ = 	snop;
	(pc) =	sbr.rel @!p0 .LBB2_11-.Ltmp6, $4  }
0x134: {  	_ = 	snop  }
0x135: {  	s12 =	sadd.s32 $0x2000, s12  }
0x136: {  	s1 =	sadd.s32 $0x40, s1;
	s0 =	sadd.s32 $0x2000, s0;
	s31 =	sadd.s32 $0x40, s31  }
0x137: {  	_ = 	snop  }
.LBB2_6:
.Ltmp7:
0x138: {  	(pc) =	sbr.rel @p2 .LBB2_8-.Ltmp7, $4  }
.Ltmp8:
0x139: {  	(pc) =	sbr.rel @!p2 .LBB2_7-.Ltmp8, $4  }
0x13a: {  	_ = 	snop  }
0x13b: {  	_ = 	snop  }
0x13c: {  	p0 =	por $0x1, $0x1  }
0x13d: {  	_ = 	snop  }
.LBB2_12:
0x13e: {  	_ =	sfence.sel $0x180000  }
0x13f: {  	[bflag:$0x0] =	sbarrier.arrive $0xFFFF  }
0x140: {  	_ =	strace $0x90000047  }
0x141: {  	s0 =	stileid.u32;
	[bflag:$0x2] =	sbarrier.arrive $0xFFFF  }
0x142: {  	p0 =	sne.s32 s0, $0x0;
	s0 =	rddreg [dreg:$0x1]  }
0x143: {  	s0 =	sadd.s32 @!p0 $0x100000, s0  }
0x144: {  	[sflag:s0] =	ssyncadd.tile.s32 @!p0 $0x1;
	_ =	shalt  }
.Lfunc_end2:
_tile_overlayer_lowered:
.L_overlay_start_2:
0x145: {  	(tag) =	ssettag $0x2  }
0x146: {  	s0 =	rddreg [dreg:$0x0];
	s2 =	stileid.u32  }
0x147: {  	s1 =	rddreg [dreg:$0x1];
	p0 =	sne.s32 s2, $0x0  }
0x148: {  	s3 =	rddreg [dreg:$0x2];
	[bflag:$0x3] =	sbarrier.arrive $0xFFFF;
	s2 =	simm.s32 @!p0 $0x1C06  }
0x149: {  	[timem:s3], [sflag:s2] =	dma.local @!p0 [hbm:s0], s1  }
0x14a: {  	s0 =	simm.s32 @!p0 $0x6  }
0x14b: {  	_ =	swait.ge @!p0 [sflag:s0], s1  }
0x14c: {  	s1 =	ssub.s32 @!p0 $0x0, s1;
	[sflag:s0] =	ssyncset.done @!p0 $0x0  }
0x14d: {  	[sflag:s0] =	ssyncadd.s32 @!p0 s1  }
0x14e: {  	[bflag:$0x3] =	sbarrier.arrive $0xFFFF  }
0x14f: {  	_ =	shalt  }

// kernel: sparse-core-data-format-call.cloned.1.call-start
scs
called_computation_lowered:
.L_overlay_start_0:
0x0: {  	s2 =	sld [smem:$0x3FD9]  }
0x1: {  	s3 =	sld [smem:$0x3FFE];
	_ =	sdelay $0x1  }
0x2: {  	s1 =	srdreg.scid  }
0x3: {  	s0 =	sand.u32 $0x1, s1  }
0x4: {  	s18 =	sshll.u32 s0, $0xA;
	s2 =	sadd.s32 s3, s2  }
0x5: {  	s2 =	sadd.s32 s2, s18  }
0x6: {  	[smem:$0x3FC5] =	sst s2  }
0x7: {  	_ = 	snop  }
0x8: {  	s2 =	sld [smem:$0x3FD0];
	(tm) =	ssettm $0x1  }
0x9: {  	s19 =	sld [smem:$0x3FFB];
	_ =	sdelay $0x3  }
0xa: {  	_ =	strace s19  }
0xb: {  	s3 =	sld [smem:$0x3FFC];
	_ =	sdelay $0x3  }
0xc: {  	_ =	strace s3  }
0xd: {  	s3 =	sld [smem:$0x3FFD];
	_ =	sdelay $0x3  }
0xe: {  	_ =	strace s3  }
0xf: {  	_ =	strace $0x8FFFFFFF  }
0x10: {  	s20 =	sld [smem:$0x3FDB];
	_ =	sdelay $0x1  }
0x11: {  	s4 =	simm.s32 $_scs_section_size  }
0x12: {  	s5 =	simm.s32 $_size__tile_overlayer_lowered;
	s6 =	simm.s32 $_tile_overlayer_lowered  }
0x13: {  	s23 =	simm.s32 $0x1BFF;
	s22 =	sshll.u32 s6, $0x1;
	s3 =	sadd.s32 s4, s20  }
0x14: {  	s7 =	simm.s32 $0x0;
	s21 =	sshll.u32 s5, $0x1;
	s5 =	sadd.s32 s22, s3  }
0x15: {  	[timem:s7], [sflag:s23] =	dma.local [hbm:s5], s21  }
0x16: {  	_ =	swait.ge [sflag:s23], s21  }
0x17: {  	s4 =	ssub.s32 $0x0, s21;
	[sflag:s23] =	ssyncset.done $0x0  }
0x18: {  	[sflag:s23] =	ssyncadd.s32 s4;
	_ =	sdelay $0x1  }
0x19: {  	s24 =	simm.s32 $0x1B8B  }
0x1a: {  	_ =	swait.ge [sflag:s24], $0x1  }
0x1b: {  	[sflag:s24] =	ssyncset.done $0x0  }
0x1c: {  	s26 =	simm.s32 $0x1B8E;
	s25 =	sld [smem:$0x3FFE];
	[sflag:s24] =	ssyncadd.s32 $0xFFFFFFFF  }
0x1d: {  	s27 =	simm.s32 $execute0_lowered;
	[smem:$0x3FD2] =	sst s26  }
0x1e: {  	s5 =	sshll.u32 s27, $0x1;
	_ =	strace $0x80000049;
	[dreg:$0x1] =	wrdreg $0xFFFFFFFF  }
0x1f: {  	s28 =	simm.s32 $_size_execute0_lowered;
	s3 =	sadd.s32 s3, s5;
	[dreg:$0x0] =	wrdreg $0x0  }
0x20: {  	s5 =	sshll.u32 s28, $0x1;
	[dreg:$0x2] =	wrdreg s3  }
0x21: {  	[dreg:$0x3] =	wrdreg s5  }
0x22: {  	[dreg:$0x4] =	wrdreg $0xC0  }
0x23: {  	_ =	task [dreg:s7], $0x5FFFF  }
0x24: {  	[dreg:$0x1] =	wrdreg $0xFFFFFFFF  }
0x25: {  	[dreg:$0x0] =	wrdreg $0x60  }
0x26: {  	[dreg:$0x2] =	wrdreg s25  }
0x27: {  	[dreg:$0x3] =	wrdreg s2  }
0x28: {  	[dreg:$0x4] =	wrdreg $0x9  }
0x29: {  	_ =	task.clear_ibuf [dreg:s7], $0x5FFFF;
	_ =	strace $0x90000049  }
0x2a: {  	s29 =	simm.s32 $0x9;
	_ =	strace $0x8000004B  }
0x2b: {  	_ =	swait.ge [sflag:s29], $0x1  }
0x2c: {  	[sflag:s29] =	ssyncadd.s32 $0xFFFFFFFF  }
0x2d: {  	_ =	strace $0x9000004B  }
0x2e: {  	_ =	sfence  }
0x2f: {  	s30 =	sld [smem:$0x0];
	_ =	sdelay $0x2  }
0x30: {  	s31 =	sshll.u32 s1, $0xD;
	s1 =	sshrl.u32 s1, $0x2  }
0x31: {  	s3 =	sand.u32 $0x4000, s31;
	s1 =	sadd.s32 s1, s30  }
0x32: {  	s0 =	sor.u32 s3, s0;
	s1 =	sshll.u32 s1, $0x11  }
0x33: {  	s0 =	sor.u32 s1, s0  }
0x34: {  	s0 =	sadd.s32 $0x8F2B, s0  }
0x35: {  	[sflag:s0] =	ssyncadd.remote.s32 $0x1  }
0x36: {  	_ =	sfence.sel $0xFFFF  }
0x37: {  	[dreg:$0x0] =	wrdreg $0xFFFFFFFF;
	(pc) =	sbr.abs _section_cstart, $3  }
0x38: {  	[dreg:$0x1] =	wrdreg $0xFFFFFFFF  }
0x39: {  	_ =	task.clear_ibuf [dreg:s7], $0x2FFFF;
	_ =	strace $0x9FFFFFFF  }
0x3a: {  	(tm) =	ssettm $0x7FFFFFFF  }
0x3b: {  	_ =	shalt  }
tec
execute0_lowered:
.L_overlay_start_1:
0x0: {  	(tag) =	ssettag $0x1  }
0x1: {  	s0 =	srdreg.scid  }
0x2: {  	s1 =	sshll.u32 s0, $0x4  }
0x3: {  	s0 =	stileid.u32;
	s1 =	sand.u32 $0x10, s1  }
0x4: {  	s1 =	sor.u32 s0, s1  }
0x5: {  	s6 =	rddreg [dreg:$0x0];
	s4 =	simm.s32 $0x1;
	s2 =	sshll.u32 s1, $0x7  }
0x6: {  	s7 =	simm.s32 $0x2;
	s12 =	simm.s32 $0x0;
	s1 =	ssub.s32 $0x1000, s2  }
0x7: {  	s8 =	simm.s32 $0x8000;
	s13 =	simm.s32 $0x0;
	s3 =	sand.u32 $0xF80, s1  }
0x8: {  	s9 =	simm.s32 $0x0;
	s5 =	sshrl.u32 s1, $0xC;
	p0 =	sne.s32 s3, $0x0  }
.Ltmp0:
0x9: {  	s1 =	rddreg [dreg:$0x2];
	s4 =	simm.s32 @!p0 $0x0;
	(pc) =	sbr.rel .LBB1_1-.Ltmp0, $4  }
0xa: {  	s11 =	simm.s32 $0x0;
	s3 =	rddreg [dreg:$0x1];
	s5 =	sadd.s32 s4, s5  }
0xb: {  	_ =	strace $0x8000004A;
	s4 =	simm.s32 $0x1;
	s5 =	smul.u32 $0xC8, s5  }
0xc: {  	s6 =	sadd.s32 $0x1A0A00, s6;
	s10 =	smov.u32 s2;
	[sflag:s4] =	ssyncpa.u1 $0x0  }
0xd: {  	p0 =	por $0x0, $0x0;
	[sflag:s7] =	ssyncpa.u1 $0x0;
	s7 =	sor.u32 $0x1, s5  }
.LBB1_4:
0xe: {  	s16 =	sshll.u32 s13, $0x3;
	s17 =	sand.u32 $0x78, s13  }
0xf: {  	s30 =	sand.u32 $0x7E00, s13;
	s12 =	sshll.u32 s12, $0xF;
	s16 =	sand.u32 $0xC00, s16  }
0x10: {  	[tilespmem:s15+$0x810 ss:$0x81] =	vst.msk $0xffff, v2;
	s31 =	sand.u32 $0x7, s13;
	s16 =	sor.u32 s17, s16;
	s17 =	sadd.s32 s3, s30  }
0x11: {  	[tilespmem:s15+$0x1020 ss:$0x81] =	vst.msk $0xffff, v0;
	s13 =	sshll.u32 s31, $0x12;
	s12 =	sadd.s32 s12, s17;
	s16 =	sshrl.u32 s16, $0x3  }
0x12: {  	[tilespmem:s15+$0x0 ss:$0x81] =	vst.msk $0xffff, v1;
	s13 =	sor.u32 $0x400, s13;
	s12 =	sadd.s32 s16, s12  }
0x13: {  	[hbm4b:s12+s13] =	stream.strided.scatter [tilespmem:s14], [sflag:$0x2], $0x2000, s8, s13, $0x20;
	[tilespmem:$0x8080] =	vst v63  }
.LBB1_5:
0x14: {  	s14 =	sadd.s32 $0x1, s9  }
0x15: {  	s12 =	sadd.s32 $0x1000, s10;
	s16 =	smov.u32 s10;
	p2 =	sgt.s32 s14, $0xC7  }
0x16: {  	s16 =	smov.u32 @p2 s12  }
0x17: {  	s14 =	simm.s32 @p2 $0x0;
	p2 =	sgt.s32 s16, $0xFFF  }
0x18: {  	s16 =	smov.u32 @p2 s2;
	p2 =	sne.s32 s11, s7  }
.Ltmp1:
0x19: {  	p1 =	slt.u32 s11, $0x2;
	(pc) =	sbr.rel @!p2 .LBB1_6-.Ltmp1, $4  }
0x1a: {  	s15 =	simm.s32 @!p1 $0x2  }
0x1b: {  	s13 =	smov.u32 s10;
	p0 =	por !p0, !p0;
	_ =	swait.ge @!p1 [sflag:s15], $0x2000  }
0x1c: {  	s12 =	smov.u32 s9;
	[sflag:s15] =	ssyncset.done @!p1 $0x0;
	s9 =	smov.u32 s14  }
0x1d: {  	s11 =	sadd.s32 $0x1, s11;
	[sflag:s15] =	ssyncadd.s32 @!p1 $0xFFFFE000;
	s10 =	smov.u32 s16  }
.LBB1_1:
0x1e: {  	p1 =	sge.u32 s11, s5  }
0x1f: {  	s14 =	sand.u32 @!p1 $0x1FFFFFF, s9  }
0x20: {  	s15 =	smulhi.u32 @!p1 $0x147AE15, s14;
	_ =	sdelay $0x1  }
0x21: {  	s15 =	smul.u32 @!p1 $0xC8, s15  }
0x22: {  	s16 =	sxor.u32 @!p1 $0xFFFFFFFF, s11;
	s17 =	smul.u32 @!p1 $0xC80, s10  }
0x23: {  	s31 =	sadd.s32 $0xFFFFFFFF, s11;
	s16 =	sshll.u32 @!p1 s16, $0xD;
	s14 =	ssub.s32 @!p1 s14, s15  }
0x24: {  	s15 =	sand.u32 @!p1 $0x2000, s16;
	s16 =	sadd.s32 @!p1 s6, s17;
	s14 =	sshll.u32 @!p1 s14, $0x4  }
0x25: {  	s17 =	simm.s32 @!p1 $0x6400;
	s14 =	sadd.s32 @!p1 s14, s16;
	s16 =	simm.s32 @!p1 $0x40  }
0x26: {  	[tilespmem:s15], [sflag:$0x1] =	stream.strided.gather @!p1 [hbm4b:s14+s16], $0x2000, s17, s16, $0x38;
	[tilespmem:$0x8080] =	vst v63  }
0x27: {  	p1 =	sge.u32 s31, s5  }
.Ltmp2:
0x28: {  	_ = 	snop;
	(pc) =	sbr.rel @p1 .LBB1_5-.Ltmp2, $1  }
0x29: {  	_ =	sdelay $0x3  }
0x2a: {  	s14 =	simm.s32 $0x1  }
0x2b: {  	_ =	swait.ge [sflag:s4], $0x2000;
	s14 =	simm.s32 @!p0 $0x0  }
0x2c: {  	[sflag:s4] =	ssyncset.done $0x0;
	s15 =	sshll.u32 s14, $0xD  }
0x2d: {  	[sflag:s4] =	ssyncadd.s32 $0xFFFFE000;
	s18 =	sor.u32 $0x20, s15  }
0x2e: {  	s14 =	smul.u32 $0x8100, s14;
	v3 =	vld [tilespmem:s18+$0x10]  }
0x2f: {  	s30 =	sand.u32 $0x1, s11;
	v2 =	vld [tilespmem:s18+$0xFFFFFFF0]  }
0x30: {  	s15 =	smul.u32 $0x8100, s30;
	s14 =	sshrl.u32 s14, $0x2;
	v0 =	vld [tilespmem:s18+$0x0]  }
0x31: {  	v1 =	vld [tilespmem:s18+$0xFFFFFFE0];
	s16 =	sor.u32 $0x4000, s14  }
0x32: {  	s31 =	sshrl.u32 s15, $0x2;
	s15 =	sadd.s32 $0x0, s16  }
0x33: {  	s17 =	simm.s32 $0x4;
	s18 =	sadd.s32 $0x40, s18;
	s14 =	sor.u32 $0x4000, s31;
	[tilespmem:s15+$0x1830 ss:$0x81] =	vst.msk $0xffff, v3  }
.LBB1_3:
0x34: {  	v3 =	vld [tilespmem:s18+$0x10];
	p1 =	sne.s32 s17, $0x1FC;
	[tilespmem:s15+$0x810 ss:$0x81] =	vst.msk $0xffff, v2;
	s19 =	smov.u32 s17;
	s17 =	sadd.s32 $0x4, s17  }
.Ltmp3:
0x35: {  	v2 =	vld [tilespmem:s18+$0xFFFFFFF0];
	[tilespmem:s15+$0x1020 ss:$0x81] =	vst.msk $0xffff, v0;
	(pc) =	sbr.rel @p1 .LBB1_3-.Ltmp3, $4  }
0x36: {  	v0 =	vld [tilespmem:s18+$0x0];
	[tilespmem:s15+$0x0 ss:$0x81] =	vst.msk $0xffff, v1  }
0x37: {  	s15 =	sshra.s32 s19, $0x2;
	v1 =	vld [tilespmem:s18+$0xFFFFFFE0]  }
0x38: {  	s15 =	sadd.s32 s15, s16  }
0x39: {  	s18 =	sadd.s32 $0x40, s18;
	[tilespmem:s15+$0x1830 ss:$0x81] =	vst.msk $0xffff, v3  }
.Ltmp4:
0x3a: {  	_ = 	snop;
	(pc) =	sbr.rel .LBB1_4-.Ltmp4, $1  }
0x3b: {  	_ =	sdelay $0x3  }
.LBB1_6:
0x3c: {  	_ =	sfence.sel $0x180000  }
0x3d: {  	s2 =	simm.s32 $0x1;
	[bflag:$0x0] =	sbarrier.arrive $0xFFFF  }
0x3e: {  	s31 =	simm.s32 $0x2;
	[sflag:s2] =	ssyncpa.u1 $0x1  }
0x3f: {  	[sflag:s31] =	ssyncpa.u1 $0x1  }
0x40: {  	p0 =	sne.s32 s0, $0x0;
	_ =	strace $0x9000004A  }
0x41: {  	s0 =	sadd.s32 @!p0 $0x100000, s1;
	[bflag:$0x2] =	sbarrier.arrive $0xFFFF  }
0x42: {  	[sflag:s0] =	ssyncadd.tile.s32 @!p0 $0x1;
	_ =	shalt  }
.Lfunc_end1:
_tile_overlayer_lowered:
.L_overlay_start_2:
0x43: {  	(tag) =	ssettag $0x2  }
0x44: {  	s0 =	rddreg [dreg:$0x0];
	s2 =	stileid.u32  }
0x45: {  	s1 =	rddreg [dreg:$0x1];
	p0 =	sne.s32 s2, $0x0  }
0x46: {  	s3 =	rddreg [dreg:$0x2];
	[bflag:$0x3] =	sbarrier.arrive $0xFFFF;
	s2 =	simm.s32 @!p0 $0x1C01  }
0x47: {  	[timem:s3], [sflag:s2] =	dma.local @!p0 [hbm:s0], s1  }
0x48: {  	s0 =	simm.s32 @!p0 $0x1  }
0x49: {  	_ =	swait.ge @!p0 [sflag:s0], s1  }
0x4a: {  	s1 =	ssub.s32 @!p0 $0x0, s1;
	[sflag:s0] =	ssyncset.done @!p0 $0x0  }
0x4b: {  	[sflag:s0] =	ssyncadd.s32 @!p0 s1  }
0x4c: {  	[bflag:$0x3] =	sbarrier.arrive $0xFFFF  }
0x4d: {  	_ =	shalt  }

</sc_bundles>
